<compile_context>
chip_gen: v7x
topology: tpu7x:2x2x1
jax: 0.10.2.dev20260603
libtpu: 0.0.44.dev20260713+nightly
codegen_flags: <defaults>
</compile_context>

<pallas_src>
import functools

import jax
import jax.numpy as jnp
from jax import lax
from jax.experimental import pallas as pl
from jax.experimental.pallas import tpu as pltpu
from jax.experimental.pallas import tpu_sc as plsc

_K = 1024
_D = 64
_N = 32768
_CH = 4096
_COMMIT = 0.25

_NC = 2
_NS = 16
_NW = _NC * _NS
_RPW = _N // _NW
_HALF = _RPW // 2


def _argmin_body(x_ref, wt_ref, wt2_ref, idx_ref, loss_ref, lsum):
    b = pl.program_id(0)
    j = pl.program_id(1)
    nb = pl.num_programs(0)
    nj = pl.num_programs(1)

    x = x_ref[...]
    wt = wt_ref[...]
    wt2 = wt2_ref[...]

    s2 = lax.dot_general(x, wt2, (((1,), (0,)), ((), ())),
                         preferred_element_type=jnp.float32)
    xn = jnp.sum(x * x, axis=1, keepdims=True)
    wn = jnp.sum(wt * wt, axis=0, keepdims=True)
    d = (xn + wn) - s2

    m = jnp.min(d, axis=1, keepdims=True)
    iot = lax.broadcasted_iota(jnp.int32, d.shape, 1)
    idx = jnp.min(jnp.where(d == m, iot, _K), axis=1, keepdims=True)
    idx_ref[0] = jnp.transpose(idx)

    @pl.when(jnp.logical_and(b == 0, j == 0))
    def _init():
        lsum[...] = jnp.zeros_like(lsum)

    lsum[...] += jnp.sum(m, keepdims=True).reshape(1, 1)

    @pl.when(jnp.logical_and(b == nb - 1, j == nj - 1))
    def _finalize():
        mse = lsum[...] / float(_N * _D)
        loss_ref[...] = (1.0 + _COMMIT) * mse


def _sc_gather_body(wt_hbm, idx_hbm, q_hbm, hist_hbm,
                    wt_v, buf, idx_v, hist2, histv, sem):
    wid = lax.axis_index("s") * _NC + lax.axis_index("c")
    base = wid * _RPW
    bb = wid // 8
    j0 = (wid % 8) * _RPW

    pltpu.sync_copy(wt_hbm, wt_v)
    pltpu.sync_copy(idx_hbm.at[pl.ds(base, _RPW)], idx_v)

    zero16 = jnp.zeros((16,), jnp.float32)
    ones16 = jnp.ones((16,), jnp.float32)
    lane16 = lax.iota(jnp.int32, 16)

    def _zero(i, _):
        hist2[pl.ds(i * 16, 16)] = zero16
        return _
    lax.fori_loop(0, (16 * _K) // 16, _zero, None)

    for half in range(2):
        def _gather(g, _, _half=half):
            off = _half * _HALF + g * 16
            idx16 = idx_v[pl.ds(off, 16)]
            plsc.addupdate_scatter(hist2, [lane16 * _K + idx16], ones16)
            for c in range(_D):
                c16 = jnp.full((16,), c, jnp.int32)
                buf[c, pl.ds(g * 16, 16)] = plsc.load_gather(wt_v, [c16, idx16])
            return _
        lax.fori_loop(0, _HALF // 16, _gather, None)
        pltpu.sync_copy(buf, q_hbm.at[bb, :, pl.ds(j0 + half * _HALF, _HALF)])

    def _reduce(v, _):
        acc = zero16
        for l in range(16):
            acc = acc + hist2[pl.ds(l * _K + v * 16, 16)]
        histv[pl.ds(v * 16, 16)] = acc
        return _
    lax.fori_loop(0, _K // 16, _reduce, None)
    pltpu.sync_copy(histv, hist_hbm.at[wid])


def _perp_body(hist_ref, perp_ref):
    hist = jnp.sum(hist_ref[...], axis=0, keepdims=True)
    p = hist / float(_N)
    ent = jnp.sum(p * jnp.log(p + 1e-10), axis=1, keepdims=True)
    perp_ref[...] = jnp.exp(-ent)


def kernel(inputs, embedding_weight):
    b, c, t, h, w = inputs.shape
    flat = jnp.transpose(inputs, (0, 2, 3, 4, 1)).reshape(-1, c)
    wt = embedding_weight.T
    wt2 = wt + wt

    nj = (t * h * w) // _CH
    idx, loss = pl.pallas_call(
        _argmin_body,
        grid=(b, nj),
        in_specs=[
            pl.BlockSpec((_CH, _D), lambda i, j, _nj=nj: (i * _nj + j, 0)),
            pl.BlockSpec((_D, _K), lambda i, j: (0, 0)),
            pl.BlockSpec((_D, _K), lambda i, j: (0, 0)),
        ],
        out_specs=[
            pl.BlockSpec((1, 1, _CH), lambda i, j, _nj=nj: (i * _nj + j, 0, 0)),
            pl.BlockSpec((1, 1), lambda i, j: (0, 0)),
        ],
        out_shape=[
            jax.ShapeDtypeStruct((_N // _CH, 1, _CH), jnp.int32),
            jax.ShapeDtypeStruct((1, 1), jnp.float32),
        ],
        scratch_shapes=[
            pltpu.VMEM((1, 1), jnp.float32),
        ],
    )(flat, wt, wt2)

    mesh = plsc.VectorSubcoreMesh(core_axis_name="c", subcore_axis_name="s")
    sc_gather = functools.partial(
        pl.kernel,
        out_type=[
            jax.ShapeDtypeStruct((b, c, t * h * w), jnp.float32),
            jax.ShapeDtypeStruct((_NW, _K), jnp.float32),
        ],
        mesh=mesh,
        scratch_types=[
            pltpu.VMEM((_D, _K), jnp.float32),
            pltpu.VMEM((_D, _HALF), jnp.float32),
            pltpu.VMEM((_RPW,), jnp.int32),
            pltpu.VMEM((16 * _K,), jnp.float32),
            pltpu.VMEM((_K,), jnp.float32),
            pltpu.SemaphoreType.DMA,
        ],
        compiler_params=pltpu.CompilerParams(needs_layout_passes=False),
    )(_sc_gather_body)
    qt, hist32 = sc_gather(wt, idx.reshape(-1))

    perp = pl.pallas_call(
        _perp_body,
        grid=(1,),
        in_specs=[pl.BlockSpec((_NW, _K), lambda i: (0, 0))],
        out_specs=[pl.BlockSpec((1, 1), lambda i: (0, 0))],
        out_shape=[jax.ShapeDtypeStruct((1, 1), jnp.float32)],
    )(hist32)[0]

    quantized = qt.reshape(b, c, t, h, w)
    return quantized, loss[0, 0], perp[0, 0]

# --- scband reference (transcript-rebuilt; emitter-appended) ---
"""Pipeline reference for scband-vector-quantizer-78434692759724 (READ-ONLY COPY).

The authoritative reference and input builder live on the scoring server;
editing this copy changes nothing except your own understanding.
"""

import jax, jax.numpy as jnp
import numpy as np

NUM_EMBEDDINGS = 1024
EMBEDDING_DIM = 64
COMMITMENT_COST = 0.25


def setup_inputs(seed: int = 0) -> dict:
    key = jax.random.key(seed)
    k1, k2 = jax.random.split(key)
    inputs = jax.random.normal(k1, (4, 64, 8, 32, 32), dtype=jnp.float32)
    embedding_weight = jax.random.uniform(
        k2, (NUM_EMBEDDINGS, EMBEDDING_DIM),
        minval=-1.0 / NUM_EMBEDDINGS, maxval=1.0 / NUM_EMBEDDINGS,
        dtype=jnp.float32)
    return {"inputs": inputs, "embedding_weight": embedding_weight}


def reference(inputs, embedding_weight):
    b, c, t, h, w = inputs.shape
    flat_input = jnp.transpose(inputs, (0, 2, 3, 4, 1)).reshape(-1, c)
    distances = (jnp.sum(flat_input ** 2, axis=1, keepdims=True)
                 + jnp.sum(embedding_weight ** 2, axis=1)
                 - 2.0 * jnp.matmul(flat_input, embedding_weight.T))
    encoding_indices = jnp.argmin(distances, axis=1)
    encodings = jax.nn.one_hot(encoding_indices, NUM_EMBEDDINGS, dtype=flat_input.dtype)
    quantized = jnp.matmul(encodings, embedding_weight).reshape(b, t, h, w, c)
    quantized = jnp.transpose(quantized, (0, 4, 1, 2, 3))
    e_latent_loss = jnp.mean((jax.lax.stop_gradient(quantized) - inputs) ** 2)
    q_latent_loss = jnp.mean((quantized - jax.lax.stop_gradient(inputs)) ** 2)
    loss = q_latent_loss + COMMITMENT_COST * e_latent_loss
    quantized_st = inputs + jax.lax.stop_gradient(quantized - inputs)
    avg_probs = jnp.mean(encodings, axis=0)
    perplexity = jnp.exp(-jnp.sum(avg_probs * jnp.log(avg_probs + 1e-10)))
    return (quantized_st, loss, perplexity)

if __name__ == "__main__":
    import jax
    _d = setup_inputs()
    print(jax.jit(kernel)(*tuple(_d.values())))

</pallas_src>

<mosaic_0001>
#map = affine_map<(d0, d1) -> (0, 0)>
#map1 = affine_map<(d0, d1) -> (0)>
#map2 = affine_map<(d0, d1) -> (0, 0, 0)>
module attributes {stable_mosaic.version = 14 : i64} {
  func.func @_sc_gather_body(%arg0: i32, %arg1: i32, %arg2: memref<64x1024xf32, #tpu.memory_space<hbm>>, %arg3: memref<32768xi32, #tpu.memory_space<hbm>>, %arg4: memref<4x64x8192xf32, #tpu.memory_space<hbm>>, %arg5: memref<32x1024xf32, #tpu.memory_space<hbm>>, %arg6: memref<64x1024xf32, #tpu.memory_space<vmem>>, %arg7: memref<64x512xf32, #tpu.memory_space<vmem>>, %arg8: memref<1024xi32, #tpu.memory_space<vmem>>, %arg9: memref<16384xf32, #tpu.memory_space<vmem>>, %arg10: memref<1024xf32, #tpu.memory_space<vmem>>, %arg11: memref<!tpu.dma_semaphore, #tpu.memory_space<semaphore_mem>>) attributes {dimension_semantics = [#tpu.dimension_semantics<core_parallel>, #tpu.dimension_semantics<subcore_parallel>], iteration_bounds = array<i64: 2, 16>, scalar_prefetch = 0 : i64, scratch_operands = 6 : i64, tpu.core_type = #tpu.core_type<sc_vector_subcore>, window_params = [{transform_indices = #map}, {transform_indices = #map1}, {transform_indices = #map2}, {transform_indices = #map}]} {
    %mul3A = arith.constant 2 : i32
    %mul3A_0 = arith.muli %arg1, %mul3A : i32
    %add3A = arith.addi %mul3A_0, %arg0 : i32
    %mul3A_1 = arith.constant 1024 : i32
    %mul3A_2 = arith.muli %add3A, %mul3A_1 : i32
    %jit3A = arith.constant 8 : i32
    %div3A = arith.divsi %add3A, %jit3A : i32
    %sign3A = arith.constant 0 : i32
    %sign3A_3 = arith.cmpi sgt, %add3A, %sign3A : i32
    %sign3A_4 = arith.extui %sign3A_3 : i1 to i32
    %sign3A_5 = arith.constant 0 : i32
    %sign3A_6 = arith.cmpi slt, %add3A, %sign3A_5 : i32
    %sign3A_7 = arith.extui %sign3A_6 : i1 to i32
    %sign3A_8 = arith.subi %sign3A_4, %sign3A_7 : i32
    %sign3A_9 = arith.constant 0 : i32
    %sign3A_10 = arith.cmpi sgt, %jit3A, %sign3A_9 : i32
    %sign3A_11 = arith.extui %sign3A_10 : i1 to i32
    %sign3A_12 = arith.constant 0 : i32
    %sign3A_13 = arith.cmpi slt, %jit3A, %sign3A_12 : i32
    %sign3A_14 = arith.extui %sign3A_13 : i1 to i32
    %sign3A_15 = arith.subi %sign3A_11, %sign3A_14 : i32
    %ne3A = arith.cmpi ne, %sign3A_8, %sign3A_15 : i32
    %rem3A = arith.remsi %add3A, %jit3A : i32
    %ne3A_16 = arith.constant 0 : i32
    %ne3A_17 = arith.cmpi ne, %rem3A, %ne3A_16 : i32
    %and3A = arith.andi %ne3A, %ne3A_17 : i1
    %sub3A = arith.constant 1 : i32
    %sub3A_18 = arith.subi %div3A, %sub3A : i32
    %select_n3A = arith.select %and3A, %sub3A_18, %div3A : i32
    %jit3A_19 = arith.constant 8 : i32
    %eq3A = arith.constant 0 : i32
    %eq3A_20 = arith.cmpi eq, %jit3A_19, %eq3A : i32
    %jit3A_21 = arith.constant 1 : i32
    %select_n3A_22 = arith.select %eq3A_20, %jit3A_21, %jit3A_19 : i32
    %rem3A_23 = arith.remsi %add3A, %select_n3A_22 : i32
    %ne3A_24 = arith.constant 0 : i32
    %ne3A_25 = arith.cmpi ne, %rem3A_23, %ne3A_24 : i32
    %lt3A = arith.constant 0 : i32
    %lt3A_26 = arith.cmpi slt, %rem3A_23, %lt3A : i32
    %lt3A_27 = arith.constant 0 : i32
    %lt3A_28 = arith.cmpi slt, %select_n3A_22, %lt3A_27 : i32
    %ne3A_29 = arith.xori %lt3A_26, %lt3A_28 : i1
    %and3A_30 = arith.andi %ne3A_29, %ne3A_25 : i1
    %add3A_31 = arith.addi %rem3A_23, %select_n3A_22 : i32
    %select_n3A_32 = arith.select %and3A_30, %add3A_31, %rem3A_23 : i32
    %mul3A_33 = arith.constant 1024 : i32
    %mul3A_34 = arith.muli %select_n3A_32, %mul3A_33 : i32
    "tpu.region"() ({
      %run_scoped3A = tpu.sem_alloc : memref<!tpu.dma_semaphore, #tpu.memory_space<semaphore_mem>>
      tpu.enqueue_dma source(%arg2 : memref<64x1024xf32, #tpu.memory_space<hbm>>) target(%arg6 : memref<64x1024xf32, #tpu.memory_space<vmem>>) target_semaphore(%run_scoped3A : memref<!tpu.dma_semaphore, #tpu.memory_space<semaphore_mem>>)
      tpu.wait_dma2 semaphore(%run_scoped3A : memref<!tpu.dma_semaphore, #tpu.memory_space<semaphore_mem>>) src(%arg2 : memref<64x1024xf32, #tpu.memory_space<hbm>>) dst(%arg6 : memref<64x1024xf32, #tpu.memory_space<vmem>>)
      tpu.yield
    }) : () -> ()
    "tpu.region"() ({
      %run_scoped3A = tpu.sem_alloc : memref<!tpu.dma_semaphore, #tpu.memory_space<semaphore_mem>>
      %dma_start3A = tpu.memref_slice %arg3[%mul3A_2] : memref<32768xi32, #tpu.memory_space<hbm>> -> memref<1024xi32, #tpu.memory_space<hbm>>
      %dma_start3A_61 = tpu.memref_slice %arg3[%mul3A_2] : memref<32768xi32, #tpu.memory_space<hbm>> -> memref<1024xi32, #tpu.memory_space<hbm>>
      tpu.enqueue_dma source(%dma_start3A_61 : memref<1024xi32, #tpu.memory_space<hbm>>) target(%arg8 : memref<1024xi32, #tpu.memory_space<vmem>>) target_semaphore(%run_scoped3A : memref<!tpu.dma_semaphore, #tpu.memory_space<semaphore_mem>>)
      %dma_wait3A = tpu.memref_slice %arg3[%mul3A_2] : memref<32768xi32, #tpu.memory_space<hbm>> -> memref<1024xi32, #tpu.memory_space<hbm>>
      %dma_wait3A_62 = tpu.memref_slice %arg3[%mul3A_2] : memref<32768xi32, #tpu.memory_space<hbm>> -> memref<1024xi32, #tpu.memory_space<hbm>>
      tpu.wait_dma2 semaphore(%run_scoped3A : memref<!tpu.dma_semaphore, #tpu.memory_space<semaphore_mem>>) src(%dma_wait3A_62 : memref<1024xi32, #tpu.memory_space<hbm>>) dst(%arg8 : memref<1024xi32, #tpu.memory_space<vmem>>)
      tpu.yield
    }) : () -> ()
    %broadcast_in_dim3A = arith.constant 0.000000e+00 : f32
    %broadcast_in_dim3A_35 = vector.broadcast %broadcast_in_dim3A : f32 to vector<16xf32>
    %broadcast_in_dim3A_36 = arith.constant 1.000000e+00 : f32
    %broadcast_in_dim3A_37 = vector.broadcast %broadcast_in_dim3A_36 : f32 to vector<16xf32>
    %iota3A = tpu.iota {dimensions = array<i32: 0>} : vector<16xi32>
    %scan3A = arith.constant 0 : i32
    %scan3A_38 = arith.constant 1024 : i32
    %scan3A_39 = arith.addi %scan3A, %scan3A_38 : i32
    %scan3A_40 = arith.constant 1 : i32
    scf.for %scan3A_61 = %scan3A to %scan3A_39 step %scan3A_40  : i32 {
      %mul3A_62 = arith.constant 16 : i32
      %mul3A_63 = arith.muli %scan3A_61, %mul3A_62 : i32
      %swap3A = arith.index_cast %mul3A_63 : i32 to index
      %swap3A_64 = tpu.vector_load %arg9[%swap3A] {strides = array<i32>} : memref<16384xf32, #tpu.memory_space<vmem>>, vector<16xf32>,
      tpu.vector_store %arg9[%swap3A], %broadcast_in_dim3A_35 {strides = array<i32>} : memref<16384xf32, #tpu.memory_space<vmem>>, vector<16xf32>,
    }
    %scan3A_41 = arith.constant 1024 : i32
    %scan3A_42 = arith.constant 0 : i32
    %scan3A_43 = arith.constant 32 : i32
    %scan3A_44 = arith.addi %scan3A_42, %scan3A_43 : i32
    %scan3A_45 = arith.constant 1 : i32
    scf.for %scan3A_61 = %scan3A_42 to %scan3A_44 step %scan3A_45  : i32 {
      %mul3A_62 = arith.constant 16 : i32
      %mul3A_63 = arith.muli %scan3A_61, %mul3A_62 : i32
      %add3A_64 = arith.constant 0 : i32
      %add3A_65 = arith.addi %add3A_64, %mul3A_63 : i32
      %get3A = arith.index_cast %add3A_65 : i32 to index
      %get3A_66 = tpu.vector_load %arg8[%get3A] {strides = array<i32>} : memref<1024xi32, #tpu.memory_space<vmem>>, vector<16xi32>,
      %mul3A_67 = arith.constant 1024 : i32
      %mul3A_68 = vector.broadcast %mul3A_67 : i32 to vector<16xi32>
      %mul3A_69 = arith.muli %iota3A, %mul3A_68 : vector<16xi32>
      %add3A_70 = arith.addi %mul3A_69, %get3A_66 : vector<16xi32>
      tpu.vector_store_idx %arg9[%add3A_70], %broadcast_in_dim3A_37 {add = true} : memref<16384xf32, #tpu.memory_space<vmem>>[vector<16xi32>], vector<16xf32>,
      %broadcast_in_dim3A_71 = arith.constant 0 : i32
      %broadcast_in_dim3A_72 = vector.broadcast %broadcast_in_dim3A_71 : i32 to vector<16xi32>
      %gather3A = tpu.vector_load_idx %arg6[%broadcast_in_dim3A_72, %get3A_66] : memref<64x1024xf32, #tpu.memory_space<vmem>>[vector<16xi32>, vector<16xi32>], vector<16xf32>,
      %mul3A_73 = arith.constant 16 : i32
      %mul3A_74 = arith.muli %scan3A_61, %mul3A_73 : i32
      %swap3A = arith.constant 0 : i32
      %swap3A_75 = arith.index_cast %swap3A : i32 to index
      %swap3A_76 = arith.index_cast %mul3A_74 : i32 to index
      %swap3A_77 = tpu.vector_load %arg7[%swap3A_75, %swap3A_76] {strides = array<i32>} : memref<64x512xf32, #tpu.memory_space<vmem>>, vector<16xf32>,
      tpu.vector_store %arg7[%swap3A_75, %swap3A_76], %gather3A {strides = array<i32>} : memref<64x512xf32, #tpu.memory_space<vmem>>, vector<16xf32>,
      %broadcast_in_dim3A_78 = arith.constant 1 : i32
      %broadcast_in_dim3A_79 = vector.broadcast %broadcast_in_dim3A_78 : i32 to vector<16xi32>
      %gather3A_80 = tpu.vector_load_idx %arg6[%broadcast_in_dim3A_79, %get3A_66] : memref<64x1024xf32, #tpu.memory_space<vmem>>[vector<16xi32>, vector<16xi32>], vector<16xf32>,
      %mul3A_81 = arith.constant 16 : i32
      %mul3A_82 = arith.muli %scan3A_61, %mul3A_81 : i32
      %swap3A_83 = arith.constant 1 : i32
      %swap3A_84 = arith.index_cast %swap3A_83 : i32 to index
      %swap3A_85 = arith.index_cast %mul3A_82 : i32 to index
      %swap3A_86 = tpu.vector_load %arg7[%swap3A_84, %swap3A_85] {strides = array<i32>} : memref<64x512xf32, #tpu.memory_space<vmem>>, vector<16xf32>,
      tpu.vector_store %arg7[%swap3A_84, %swap3A_85], %gather3A_80 {strides = array<i32>} : memref<64x512xf32, #tpu.memory_space<vmem>>, vector<16xf32>,
      %broadcast_in_dim3A_87 = arith.constant 2 : i32
      %broadcast_in_dim3A_88 = vector.broadcast %broadcast_in_dim3A_87 : i32 to vector<16xi32>
      %gather3A_89 = tpu.vector_load_idx %arg6[%broadcast_in_dim3A_88, %get3A_66] : memref<64x1024xf32, #tpu.memory_space<vmem>>[vector<16xi32>, vector<16xi32>], vector<16xf32>,
      %mul3A_90 = arith.constant 16 : i32
      %mul3A_91 = arith.muli %scan3A_61, %mul3A_90 : i32
      %swap3A_92 = arith.constant 2 : i32
      %swap3A_93 = arith.index_cast %swap3A_92 : i32 to index
      %swap3A_94 = arith.index_cast %mul3A_91 : i32 to index
      %swap3A_95 = tpu.vector_load %arg7[%swap3A_93, %swap3A_94] {strides = array<i32>} : memref<64x512xf32, #tpu.memory_space<vmem>>, vector<16xf32>,
      tpu.vector_store %arg7[%swap3A_93, %swap3A_94], %gather3A_89 {strides = array<i32>} : memref<64x512xf32, #tpu.memory_space<vmem>>, vector<16xf32>,
      %broadcast_in_dim3A_96 = arith.constant 3 : i32
      %broadcast_in_dim3A_97 = vector.broadcast %broadcast_in_dim3A_96 : i32 to vector<16xi32>
      %gather3A_98 = tpu.vector_load_idx %arg6[%broadcast_in_dim3A_97, %get3A_66] : memref<64x1024xf32, #tpu.memory_space<vmem>>[vector<16xi32>, vector<16xi32>], vector<16xf32>,
      %mul3A_99 = arith.constant 16 : i32
      %mul3A_100 = arith.muli %scan3A_61, %mul3A_99 : i32
      %swap3A_101 = arith.constant 3 : i32
      %swap3A_102 = arith.index_cast %swap3A_101 : i32 to index
      %swap3A_103 = arith.index_cast %mul3A_100 : i32 to index
      %swap3A_104 = tpu.vector_load %arg7[%swap3A_102, %swap3A_103] {strides = array<i32>} : memref<64x512xf32, #tpu.memory_space<vmem>>, vector<16xf32>,
      tpu.vector_store %arg7[%swap3A_102, %swap3A_103], %gather3A_98 {strides = array<i32>} : memref<64x512xf32, #tpu.memory_space<vmem>>, vector<16xf32>,
      %broadcast_in_dim3A_105 = arith.constant 4 : i32
      %broadcast_in_dim3A_106 = vector.broadcast %broadcast_in_dim3A_105 : i32 to vector<16xi32>
      %gather3A_107 = tpu.vector_load_idx %arg6[%broadcast_in_dim3A_106, %get3A_66] : memref<64x1024xf32, #tpu.memory_space<vmem>>[vector<16xi32>, vector<16xi32>], vector<16xf32>,
      %mul3A_108 = arith.constant 16 : i32
      %mul3A_109 = arith.muli %scan3A_61, %mul3A_108 : i32
      %swap3A_110 = arith.constant 4 : i32
      %swap3A_111 = arith.index_cast %swap3A_110 : i32 to index
      %swap3A_112 = arith.index_cast %mul3A_109 : i32 to index
      %swap3A_113 = tpu.vector_load %arg7[%swap3A_111, %swap3A_112] {strides = array<i32>} : memref<64x512xf32, #tpu.memory_space<vmem>>, vector<16xf32>,
      tpu.vector_store %arg7[%swap3A_111, %swap3A_112], %gather3A_107 {strides = array<i32>} : memref<64x512xf32, #tpu.memory_space<vmem>>, vector<16xf32>,
      %broadcast_in_dim3A_114 = arith.constant 5 : i32
      %broadcast_in_dim3A_115 = vector.broadcast %broadcast_in_dim3A_114 : i32 to vector<16xi32>
      %gather3A_116 = tpu.vector_load_idx %arg6[%broadcast_in_dim3A_115, %get3A_66] : memref<64x1024xf32, #tpu.memory_space<vmem>>[vector<16xi32>, vector<16xi32>], vector<16xf32>,
      %mul3A_117 = arith.constant 16 : i32
      %mul3A_118 = arith.muli %scan3A_61, %mul3A_117 : i32
      %swap3A_119 = arith.constant 5 : i32
      %swap3A_120 = arith.index_cast %swap3A_119 : i32 to index
      %swap3A_121 = arith.index_cast %mul3A_118 : i32 to index
      %swap3A_122 = tpu.vector_load %arg7[%swap3A_120, %swap3A_121] {strides = array<i32>} : memref<64x512xf32, #tpu.memory_space<vmem>>, vector<16xf32>,
      tpu.vector_store %arg7[%swap3A_120, %swap3A_121], %gather3A_116 {strides = array<i32>} : memref<64x512xf32, #tpu.memory_space<vmem>>, vector<16xf32>,
      %broadcast_in_dim3A_123 = arith.constant 6 : i32
      %broadcast_in_dim3A_124 = vector.broadcast %broadcast_in_dim3A_123 : i32 to vector<16xi32>
      %gather3A_125 = tpu.vector_load_idx %arg6[%broadcast_in_dim3A_124, %get3A_66] : memref<64x1024xf32, #tpu.memory_space<vmem>>[vector<16xi32>, vector<16xi32>], vector<16xf32>,
      %mul3A_126 = arith.constant 16 : i32
      %mul3A_127 = arith.muli %scan3A_61, %mul3A_126 : i32
      %swap3A_128 = arith.constant 6 : i32
      %swap3A_129 = arith.index_cast %swap3A_128 : i32 to index
      %swap3A_130 = arith.index_cast %mul3A_127 : i32 to index
      %swap3A_131 = tpu.vector_load %arg7[%swap3A_129, %swap3A_130] {strides = array<i32>} : memref<64x512xf32, #tpu.memory_space<vmem>>, vector<16xf32>,
      tpu.vector_store %arg7[%swap3A_129, %swap3A_130], %gather3A_125 {strides = array<i32>} : memref<64x512xf32, #tpu.memory_space<vmem>>, vector<16xf32>,
      %broadcast_in_dim3A_132 = arith.constant 7 : i32
      %broadcast_in_dim3A_133 = vector.broadcast %broadcast_in_dim3A_132 : i32 to vector<16xi32>
      %gather3A_134 = tpu.vector_load_idx %arg6[%broadcast_in_dim3A_133, %get3A_66] : memref<64x1024xf32, #tpu.memory_space<vmem>>[vector<16xi32>, vector<16xi32>], vector<16xf32>,
      %mul3A_135 = arith.constant 16 : i32
      %mul3A_136 = arith.muli %scan3A_61, %mul3A_135 : i32
      %swap3A_137 = arith.constant 7 : i32
      %swap3A_138 = arith.index_cast %swap3A_137 : i32 to index
      %swap3A_139 = arith.index_cast %mul3A_136 : i32 to index
      %swap3A_140 = tpu.vector_load %arg7[%swap3A_138, %swap3A_139] {strides = array<i32>} : memref<64x512xf32, #tpu.memory_space<vmem>>, vector<16xf32>,
      tpu.vector_store %arg7[%swap3A_138, %swap3A_139], %gather3A_134 {strides = array<i32>} : memref<64x512xf32, #tpu.memory_space<vmem>>, vector<16xf32>,
      %broadcast_in_dim3A_141 = arith.constant 8 : i32
      %broadcast_in_dim3A_142 = vector.broadcast %broadcast_in_dim3A_141 : i32 to vector<16xi32>
      %gather3A_143 = tpu.vector_load_idx %arg6[%broadcast_in_dim3A_142, %get3A_66] : memref<64x1024xf32, #tpu.memory_space<vmem>>[vector<16xi32>, vector<16xi32>], vector<16xf32>,
      %mul3A_144 = arith.constant 16 : i32
      %mul3A_145 = arith.muli %scan3A_61, %mul3A_144 : i32
      %swap3A_146 = arith.constant 8 : i32
      %swap3A_147 = arith.index_cast %swap3A_146 : i32 to index
      %swap3A_148 = arith.index_cast %mul3A_145 : i32 to index
      %swap3A_149 = tpu.vector_load %arg7[%swap3A_147, %swap3A_148] {strides = array<i32>} : memref<64x512xf32, #tpu.memory_space<vmem>>, vector<16xf32>,
      tpu.vector_store %arg7[%swap3A_147, %swap3A_148], %gather3A_143 {strides = array<i32>} : memref<64x512xf32, #tpu.memory_space<vmem>>, vector<16xf32>,
      %broadcast_in_dim3A_150 = arith.constant 9 : i32
      %broadcast_in_dim3A_151 = vector.broadcast %broadcast_in_dim3A_150 : i32 to vector<16xi32>
      %gather3A_152 = tpu.vector_load_idx %arg6[%broadcast_in_dim3A_151, %get3A_66] : memref<64x1024xf32, #tpu.memory_space<vmem>>[vector<16xi32>, vector<16xi32>], vector<16xf32>,
      %mul3A_153 = arith.constant 16 : i32
      %mul3A_154 = arith.muli %scan3A_61, %mul3A_153 : i32
      %swap3A_155 = arith.constant 9 : i32
      %swap3A_156 = arith.index_cast %swap3A_155 : i32 to index
      %swap3A_157 = arith.index_cast %mul3A_154 : i32 to index
      %swap3A_158 = tpu.vector_load %arg7[%swap3A_156, %swap3A_157] {strides = array<i32>} : memref<64x512xf32, #tpu.memory_space<vmem>>, vector<16xf32>,
      tpu.vector_store %arg7[%swap3A_156, %swap3A_157], %gather3A_152 {strides = array<i32>} : memref<64x512xf32, #tpu.memory_space<vmem>>, vector<16xf32>,
      %broadcast_in_dim3A_159 = arith.constant 10 : i32
      %broadcast_in_dim3A_160 = vector.broadcast %broadcast_in_dim3A_159 : i32 to vector<16xi32>
      %gather3A_161 = tpu.vector_load_idx %arg6[%broadcast_in_dim3A_160, %get3A_66] : memref<64x1024xf32, #tpu.memory_space<vmem>>[vector<16xi32>, vector<16xi32>], vector<16xf32>,
      %mul3A_162 = arith.constant 16 : i32
      %mul3A_163 = arith.muli %scan3A_61, %mul3A_162 : i32
      %swap3A_164 = arith.constant 10 : i32
      %swap3A_165 = arith.index_cast %swap3A_164 : i32 to index
      %swap3A_166 = arith.index_cast %mul3A_163 : i32 to index
      %swap3A_167 = tpu.vector_load %arg7[%swap3A_165, %swap3A_166] {strides = array<i32>} : memref<64x512xf32, #tpu.memory_space<vmem>>, vector<16xf32>,
      tpu.vector_store %arg7[%swap3A_165, %swap3A_166], %gather3A_161 {strides = array<i32>} : memref<64x512xf32, #tpu.memory_space<vmem>>, vector<16xf32>,
      %broadcast_in_dim3A_168 = arith.constant 11 : i32
      %broadcast_in_dim3A_169 = vector.broadcast %broadcast_in_dim3A_168 : i32 to vector<16xi32>
      %gather3A_170 = tpu.vector_load_idx %arg6[%broadcast_in_dim3A_169, %get3A_66] : memref<64x1024xf32, #tpu.memory_space<vmem>>[vector<16xi32>, vector<16xi32>], vector<16xf32>,
      %mul3A_171 = arith.constant 16 : i32
      %mul3A_172 = arith.muli %scan3A_61, %mul3A_171 : i32
      %swap3A_173 = arith.constant 11 : i32
      %swap3A_174 = arith.index_cast %swap3A_173 : i32 to index
      %swap3A_175 = arith.index_cast %mul3A_172 : i32 to index
      %swap3A_176 = tpu.vector_load %arg7[%swap3A_174, %swap3A_175] {strides = array<i32>} : memref<64x512xf32, #tpu.memory_space<vmem>>, vector<16xf32>,
      tpu.vector_store %arg7[%swap3A_174, %swap3A_175], %gather3A_170 {strides = array<i32>} : memref<64x512xf32, #tpu.memory_space<vmem>>, vector<16xf32>,
      %broadcast_in_dim3A_177 = arith.constant 12 : i32
      %broadcast_in_dim3A_178 = vector.broadcast %broadcast_in_dim3A_177 : i32 to vector<16xi32>
      %gather3A_179 = tpu.vector_load_idx %arg6[%broadcast_in_dim3A_178, %get3A_66] : memref<64x1024xf32, #tpu.memory_space<vmem>>[vector<16xi32>, vector<16xi32>], vector<16xf32>,
      %mul3A_180 = arith.constant 16 : i32
      %mul3A_181 = arith.muli %scan3A_61, %mul3A_180 : i32
      %swap3A_182 = arith.constant 12 : i32
      %swap3A_183 = arith.index_cast %swap3A_182 : i32 to index
      %swap3A_184 = arith.index_cast %mul3A_181 : i32 to index
      %swap3A_185 = tpu.vector_load %arg7[%swap3A_183, %swap3A_184] {strides = array<i32>} : memref<64x512xf32, #tpu.memory_space<vmem>>, vector<16xf32>,
      tpu.vector_store %arg7[%swap3A_183, %swap3A_184], %gather3A_179 {strides = array<i32>} : memref<64x512xf32, #tpu.memory_space<vmem>>, vector<16xf32>,
      %broadcast_in_dim3A_186 = arith.constant 13 : i32
      %broadcast_in_dim3A_187 = vector.broadcast %broadcast_in_dim3A_186 : i32 to vector<16xi32>
      %gather3A_188 = tpu.vector_load_idx %arg6[%broadcast_in_dim3A_187, %get3A_66] : memref<64x1024xf32, #tpu.memory_space<vmem>>[vector<16xi32>, vector<16xi32>], vector<16xf32>,
      %mul3A_189 = arith.constant 16 : i32
      %mul3A_190 = arith.muli %scan3A_61, %mul3A_189 : i32
      %swap3A_191 = arith.constant 13 : i32
      %swap3A_192 = arith.index_cast %swap3A_191 : i32 to index
      %swap3A_193 = arith.index_cast %mul3A_190 : i32 to index
      %swap3A_194 = tpu.vector_load %arg7[%swap3A_192, %swap3A_193] {strides = array<i32>} : memref<64x512xf32, #tpu.memory_space<vmem>>, vector<16xf32>,
      tpu.vector_store %arg7[%swap3A_192, %swap3A_193], %gather3A_188 {strides = array<i32>} : memref<64x512xf32, #tpu.memory_space<vmem>>, vector<16xf32>,
      %broadcast_in_dim3A_195 = arith.constant 14 : i32
      %broadcast_in_dim3A_196 = vector.broadcast %broadcast_in_dim3A_195 : i32 to vector<16xi32>
      %gather3A_197 = tpu.vector_load_idx %arg6[%broadcast_in_dim3A_196, %get3A_66] : memref<64x1024xf32, #tpu.memory_space<vmem>>[vector<16xi32>, vector<16xi32>], vector<16xf32>,
      %mul3A_198 = arith.constant 16 : i32
      %mul3A_199 = arith.muli %scan3A_61, %mul3A_198 : i32
      %swap3A_200 = arith.constant 14 : i32
      %swap3A_201 = arith.index_cast %swap3A_200 : i32 to index
      %swap3A_202 = arith.index_cast %mul3A_199 : i32 to index
      %swap3A_203 = tpu.vector_load %arg7[%swap3A_201, %swap3A_202] {strides = array<i32>} : memref<64x512xf32, #tpu.memory_space<vmem>>, vector<16xf32>,
      tpu.vector_store %arg7[%swap3A_201, %swap3A_202], %gather3A_197 {strides = array<i32>} : memref<64x512xf32, #tpu.memory_space<vmem>>, vector<16xf32>,
      %broadcast_in_dim3A_204 = arith.constant 15 : i32
      %broadcast_in_dim3A_205 = vector.broadcast %broadcast_in_dim3A_204 : i32 to vector<16xi32>
      %gather3A_206 = tpu.vector_load_idx %arg6[%broadcast_in_dim3A_205, %get3A_66] : memref<64x1024xf32, #tpu.memory_space<vmem>>[vector<16xi32>, vector<16xi32>], vector<16xf32>,
      %mul3A_207 = arith.constant 16 : i32
      %mul3A_208 = arith.muli %scan3A_61, %mul3A_207 : i32
      %swap3A_209 = arith.constant 15 : i32
      %swap3A_210 = arith.index_cast %swap3A_209 : i32 to index
      %swap3A_211 = arith.index_cast %mul3A_208 : i32 to index
      %swap3A_212 = tpu.vector_load %arg7[%swap3A_210, %swap3A_211] {strides = array<i32>} : memref<64x512xf32, #tpu.memory_space<vmem>>, vector<16xf32>,
      tpu.vector_store %arg7[%swap3A_210, %swap3A_211], %gather3A_206 {strides = array<i32>} : memref<64x512xf32, #tpu.memory_space<vmem>>, vector<16xf32>,
      %broadcast_in_dim3A_213 = arith.constant 16 : i32
      %broadcast_in_dim3A_214 = vector.broadcast %broadcast_in_dim3A_213 : i32 to vector<16xi32>
      %gather3A_215 = tpu.vector_load_idx %arg6[%broadcast_in_dim3A_214, %get3A_66] : memref<64x1024xf32, #tpu.memory_space<vmem>>[vector<16xi32>, vector<16xi32>], vector<16xf32>,
      %mul3A_216 = arith.constant 16 : i32
      %mul3A_217 = arith.muli %scan3A_61, %mul3A_216 : i32
      %swap3A_218 = arith.constant 16 : i32
      %swap3A_219 = arith.index_cast %swap3A_218 : i32 to index
      %swap3A_220 = arith.index_cast %mul3A_217 : i32 to index
      %swap3A_221 = tpu.vector_load %arg7[%swap3A_219, %swap3A_220] {strides = array<i32>} : memref<64x512xf32, #tpu.memory_space<vmem>>, vector<16xf32>,
      tpu.vector_store %arg7[%swap3A_219, %swap3A_220], %gather3A_215 {strides = array<i32>} : memref<64x512xf32, #tpu.memory_space<vmem>>, vector<16xf32>,
      %broadcast_in_dim3A_222 = arith.constant 17 : i32
      %broadcast_in_dim3A_223 = vector.broadcast %broadcast_in_dim3A_222 : i32 to vector<16xi32>
      %gather3A_224 = tpu.vector_load_idx %arg6[%broadcast_in_dim3A_223, %get3A_66] : memref<64x1024xf32, #tpu.memory_space<vmem>>[vector<16xi32>, vector<16xi32>], vector<16xf32>,
      %mul3A_225 = arith.constant 16 : i32
      %mul3A_226 = arith.muli %scan3A_61, %mul3A_225 : i32
      %swap3A_227 = arith.constant 17 : i32
      %swap3A_228 = arith.index_cast %swap3A_227 : i32 to index
      %swap3A_229 = arith.index_cast %mul3A_226 : i32 to index
      %swap3A_230 = tpu.vector_load %arg7[%swap3A_228, %swap3A_229] {strides = array<i32>} : memref<64x512xf32, #tpu.memory_space<vmem>>, vector<16xf32>,
      tpu.vector_store %arg7[%swap3A_228, %swap3A_229], %gather3A_224 {strides = array<i32>} : memref<64x512xf32, #tpu.memory_space<vmem>>, vector<16xf32>,
      %broadcast_in_dim3A_231 = arith.constant 18 : i32
      %broadcast_in_dim3A_232 = vector.broadcast %broadcast_in_dim3A_231 : i32 to vector<16xi32>
      %gather3A_233 = tpu.vector_load_idx %arg6[%broadcast_in_dim3A_232, %get3A_66] : memref<64x1024xf32, #tpu.memory_space<vmem>>[vector<16xi32>, vector<16xi32>], vector<16xf32>,
      %mul3A_234 = arith.constant 16 : i32
      %mul3A_235 = arith.muli %scan3A_61, %mul3A_234 : i32
      %swap3A_236 = arith.constant 18 : i32
      %swap3A_237 = arith.index_cast %swap3A_236 : i32 to index
      %swap3A_238 = arith.index_cast %mul3A_235 : i32 to index
      %swap3A_239 = tpu.vector_load %arg7[%swap3A_237, %swap3A_238] {strides = array<i32>} : memref<64x512xf32, #tpu.memory_space<vmem>>, vector<16xf32>,
      tpu.vector_store %arg7[%swap3A_237, %swap3A_238], %gather3A_233 {strides = array<i32>} : memref<64x512xf32, #tpu.memory_space<vmem>>, vector<16xf32>,
      %broadcast_in_dim3A_240 = arith.constant 19 : i32
      %broadcast_in_dim3A_241 = vector.broadcast %broadcast_in_dim3A_240 : i32 to vector<16xi32>
      %gather3A_242 = tpu.vector_load_idx %arg6[%broadcast_in_dim3A_241, %get3A_66] : memref<64x1024xf32, #tpu.memory_space<vmem>>[vector<16xi32>, vector<16xi32>], vector<16xf32>,
      %mul3A_243 = arith.constant 16 : i32
      %mul3A_244 = arith.muli %scan3A_61, %mul3A_243 : i32
      %swap3A_245 = arith.constant 19 : i32
      %swap3A_246 = arith.index_cast %swap3A_245 : i32 to index
      %swap3A_247 = arith.index_cast %mul3A_244 : i32 to index
      %swap3A_248 = tpu.vector_load %arg7[%swap3A_246, %swap3A_247] {strides = array<i32>} : memref<64x512xf32, #tpu.memory_space<vmem>>, vector<16xf32>,
      tpu.vector_store %arg7[%swap3A_246, %swap3A_247], %gather3A_242 {strides = array<i32>} : memref<64x512xf32, #tpu.memory_space<vmem>>, vector<16xf32>,
      %broadcast_in_dim3A_249 = arith.constant 20 : i32
      %broadcast_in_dim3A_250 = vector.broadcast %broadcast_in_dim3A_249 : i32 to vector<16xi32>
      %gather3A_251 = tpu.vector_load_idx %arg6[%broadcast_in_dim3A_250, %get3A_66] : memref<64x1024xf32, #tpu.memory_space<vmem>>[vector<16xi32>, vector<16xi32>], vector<16xf32>,
      %mul3A_252 = arith.constant 16 : i32
      %mul3A_253 = arith.muli %scan3A_61, %mul3A_252 : i32
      %swap3A_254 = arith.constant 20 : i32
      %swap3A_255 = arith.index_cast %swap3A_254 : i32 to index
      %swap3A_256 = arith.index_cast %mul3A_253 : i32 to index
      %swap3A_257 = tpu.vector_load %arg7[%swap3A_255, %swap3A_256] {strides = array<i32>} : memref<64x512xf32, #tpu.memory_space<vmem>>, vector<16xf32>,
      tpu.vector_store %arg7[%swap3A_255, %swap3A_256], %gather3A_251 {strides = array<i32>} : memref<64x512xf32, #tpu.memory_space<vmem>>, vector<16xf32>,
      %broadcast_in_dim3A_258 = arith.constant 21 : i32
      %broadcast_in_dim3A_259 = vector.broadcast %broadcast_in_dim3A_258 : i32 to vector<16xi32>
      %gather3A_260 = tpu.vector_load_idx %arg6[%broadcast_in_dim3A_259, %get3A_66] : memref<64x1024xf32, #tpu.memory_space<vmem>>[vector<16xi32>, vector<16xi32>], vector<16xf32>,
      %mul3A_261 = arith.constant 16 : i32
      %mul3A_262 = arith.muli %scan3A_61, %mul3A_261 : i32
      %swap3A_263 = arith.constant 21 : i32
      %swap3A_264 = arith.index_cast %swap3A_263 : i32 to index
      %swap3A_265 = arith.index_cast %mul3A_262 : i32 to index
      %swap3A_266 = tpu.vector_load %arg7[%swap3A_264, %swap3A_265] {strides = array<i32>} : memref<64x512xf32, #tpu.memory_space<vmem>>, vector<16xf32>,
      tpu.vector_store %arg7[%swap3A_264, %swap3A_265], %gather3A_260 {strides = array<i32>} : memref<64x512xf32, #tpu.memory_space<vmem>>, vector<16xf32>,
      %broadcast_in_dim3A_267 = arith.constant 22 : i32
      %broadcast_in_dim3A_268 = vector.broadcast %broadcast_in_dim3A_267 : i32 to vector<16xi32>
      %gather3A_269 = tpu.vector_load_idx %arg6[%broadcast_in_dim3A_268, %get3A_66] : memref<64x1024xf32, #tpu.memory_space<vmem>>[vector<16xi32>, vector<16xi32>], vector<16xf32>,
      %mul3A_270 = arith.constant 16 : i32
      %mul3A_271 = arith.muli %scan3A_61, %mul3A_270 : i32
      %swap3A_272 = arith.constant 22 : i32
      %swap3A_273 = arith.index_cast %swap3A_272 : i32 to index
      %swap3A_274 = arith.index_cast %mul3A_271 : i32 to index
      %swap3A_275 = tpu.vector_load %arg7[%swap3A_273, %swap3A_274] {strides = array<i32>} : memref<64x512xf32, #tpu.memory_space<vmem>>, vector<16xf32>,
      tpu.vector_store %arg7[%swap3A_273, %swap3A_274], %gather3A_269 {strides = array<i32>} : memref<64x512xf32, #tpu.memory_space<vmem>>, vector<16xf32>,
      %broadcast_in_dim3A_276 = arith.constant 23 : i32
      %broadcast_in_dim3A_277 = vector.broadcast %broadcast_in_dim3A_276 : i32 to vector<16xi32>
      %gather3A_278 = tpu.vector_load_idx %arg6[%broadcast_in_dim3A_277, %get3A_66] : memref<64x1024xf32, #tpu.memory_space<vmem>>[vector<16xi32>, vector<16xi32>], vector<16xf32>,
      %mul3A_279 = arith.constant 16 : i32
      %mul3A_280 = arith.muli %scan3A_61, %mul3A_279 : i32
      %swap3A_281 = arith.constant 23 : i32
      %swap3A_282 = arith.index_cast %swap3A_281 : i32 to index
      %swap3A_283 = arith.index_cast %mul3A_280 : i32 to index
      %swap3A_284 = tpu.vector_load %arg7[%swap3A_282, %swap3A_283] {strides = array<i32>} : memref<64x512xf32, #tpu.memory_space<vmem>>, vector<16xf32>,
      tpu.vector_store %arg7[%swap3A_282, %swap3A_283], %gather3A_278 {strides = array<i32>} : memref<64x512xf32, #tpu.memory_space<vmem>>, vector<16xf32>,
      %broadcast_in_dim3A_285 = arith.constant 24 : i32
      %broadcast_in_dim3A_286 = vector.broadcast %broadcast_in_dim3A_285 : i32 to vector<16xi32>
      %gather3A_287 = tpu.vector_load_idx %arg6[%broadcast_in_dim3A_286, %get3A_66] : memref<64x1024xf32, #tpu.memory_space<vmem>>[vector<16xi32>, vector<16xi32>], vector<16xf32>,
      %mul3A_288 = arith.constant 16 : i32
      %mul3A_289 = arith.muli %scan3A_61, %mul3A_288 : i32
      %swap3A_290 = arith.constant 24 : i32
      %swap3A_291 = arith.index_cast %swap3A_290 : i32 to index
      %swap3A_292 = arith.index_cast %mul3A_289 : i32 to index
      %swap3A_293 = tpu.vector_load %arg7[%swap3A_291, %swap3A_292] {strides = array<i32>} : memref<64x512xf32, #tpu.memory_space<vmem>>, vector<16xf32>,
      tpu.vector_store %arg7[%swap3A_291, %swap3A_292], %gather3A_287 {strides = array<i32>} : memref<64x512xf32, #tpu.memory_space<vmem>>, vector<16xf32>,
      %broadcast_in_dim3A_294 = arith.constant 25 : i32
      %broadcast_in_dim3A_295 = vector.broadcast %broadcast_in_dim3A_294 : i32 to vector<16xi32>
      %gather3A_296 = tpu.vector_load_idx %arg6[%broadcast_in_dim3A_295, %get3A_66] : memref<64x1024xf32, #tpu.memory_space<vmem>>[vector<16xi32>, vector<16xi32>], vector<16xf32>,
      %mul3A_297 = arith.constant 16 : i32
      %mul3A_298 = arith.muli %scan3A_61, %mul3A_297 : i32
      %swap3A_299 = arith.constant 25 : i32
      %swap3A_300 = arith.index_cast %swap3A_299 : i32 to index
      %swap3A_301 = arith.index_cast %mul3A_298 : i32 to index
      %swap3A_302 = tpu.vector_load %arg7[%swap3A_300, %swap3A_301] {strides = array<i32>} : memref<64x512xf32, #tpu.memory_space<vmem>>, vector<16xf32>,
      tpu.vector_store %arg7[%swap3A_300, %swap3A_301], %gather3A_296 {strides = array<i32>} : memref<64x512xf32, #tpu.memory_space<vmem>>, vector<16xf32>,
      %broadcast_in_dim3A_303 = arith.constant 26 : i32
      %broadcast_in_dim3A_304 = vector.broadcast %broadcast_in_dim3A_303 : i32 to vector<16xi32>
      %gather3A_305 = tpu.vector_load_idx %arg6[%broadcast_in_dim3A_304, %get3A_66] : memref<64x1024xf32, #tpu.memory_space<vmem>>[vector<16xi32>, vector<16xi32>], vector<16xf32>,
      %mul3A_306 = arith.constant 16 : i32
      %mul3A_307 = arith.muli %scan3A_61, %mul3A_306 : i32
      %swap3A_308 = arith.constant 26 : i32
      %swap3A_309 = arith.index_cast %swap3A_308 : i32 to index
      %swap3A_310 = arith.index_cast %mul3A_307 : i32 to index
      %swap3A_311 = tpu.vector_load %arg7[%swap3A_309, %swap3A_310] {strides = array<i32>} : memref<64x512xf32, #tpu.memory_space<vmem>>, vector<16xf32>,
      tpu.vector_store %arg7[%swap3A_309, %swap3A_310], %gather3A_305 {strides = array<i32>} : memref<64x512xf32, #tpu.memory_space<vmem>>, vector<16xf32>,
      %broadcast_in_dim3A_312 = arith.constant 27 : i32
      %broadcast_in_dim3A_313 = vector.broadcast %broadcast_in_dim3A_312 : i32 to vector<16xi32>
      %gather3A_314 = tpu.vector_load_idx %arg6[%broadcast_in_dim3A_313, %get3A_66] : memref<64x1024xf32, #tpu.memory_space<vmem>>[vector<16xi32>, vector<16xi32>], vector<16xf32>,
      %mul3A_315 = arith.constant 16 : i32
      %mul3A_316 = arith.muli %scan3A_61, %mul3A_315 : i32
      %swap3A_317 = arith.constant 27 : i32
      %swap3A_318 = arith.index_cast %swap3A_317 : i32 to index
      %swap3A_319 = arith.index_cast %mul3A_316 : i32 to index
      %swap3A_320 = tpu.vector_load %arg7[%swap3A_318, %swap3A_319] {strides = array<i32>} : memref<64x512xf32, #tpu.memory_space<vmem>>, vector<16xf32>,
      tpu.vector_store %arg7[%swap3A_318, %swap3A_319], %gather3A_314 {strides = array<i32>} : memref<64x512xf32, #tpu.memory_space<vmem>>, vector<16xf32>,
      %broadcast_in_dim3A_321 = arith.constant 28 : i32
      %broadcast_in_dim3A_322 = vector.broadcast %broadcast_in_dim3A_321 : i32 to vector<16xi32>
      %gather3A_323 = tpu.vector_load_idx %arg6[%broadcast_in_dim3A_322, %get3A_66] : memref<64x1024xf32, #tpu.memory_space<vmem>>[vector<16xi32>, vector<16xi32>], vector<16xf32>,
      %mul3A_324 = arith.constant 16 : i32
      %mul3A_325 = arith.muli %scan3A_61, %mul3A_324 : i32
      %swap3A_326 = arith.constant 28 : i32
      %swap3A_327 = arith.index_cast %swap3A_326 : i32 to index
      %swap3A_328 = arith.index_cast %mul3A_325 : i32 to index
      %swap3A_329 = tpu.vector_load %arg7[%swap3A_327, %swap3A_328] {strides = array<i32>} : memref<64x512xf32, #tpu.memory_space<vmem>>, vector<16xf32>,
      tpu.vector_store %arg7[%swap3A_327, %swap3A_328], %gather3A_323 {strides = array<i32>} : memref<64x512xf32, #tpu.memory_space<vmem>>, vector<16xf32>,
      %broadcast_in_dim3A_330 = arith.constant 29 : i32
      %broadcast_in_dim3A_331 = vector.broadcast %broadcast_in_dim3A_330 : i32 to vector<16xi32>
      %gather3A_332 = tpu.vector_load_idx %arg6[%broadcast_in_dim3A_331, %get3A_66] : memref<64x1024xf32, #tpu.memory_space<vmem>>[vector<16xi32>, vector<16xi32>], vector<16xf32>,
      %mul3A_333 = arith.constant 16 : i32
      %mul3A_334 = arith.muli %scan3A_61, %mul3A_333 : i32
      %swap3A_335 = arith.constant 29 : i32
      %swap3A_336 = arith.index_cast %swap3A_335 : i32 to index
      %swap3A_337 = arith.index_cast %mul3A_334 : i32 to index
      %swap3A_338 = tpu.vector_load %arg7[%swap3A_336, %swap3A_337] {strides = array<i32>} : memref<64x512xf32, #tpu.memory_space<vmem>>, vector<16xf32>,
      tpu.vector_store %arg7[%swap3A_336, %swap3A_337], %gather3A_332 {strides = array<i32>} : memref<64x512xf32, #tpu.memory_space<vmem>>, vector<16xf32>,
      %broadcast_in_dim3A_339 = arith.constant 30 : i32
      %broadcast_in_dim3A_340 = vector.broadcast %broadcast_in_dim3A_339 : i32 to vector<16xi32>
      %gather3A_341 = tpu.vector_load_idx %arg6[%broadcast_in_dim3A_340, %get3A_66] : memref<64x1024xf32, #tpu.memory_space<vmem>>[vector<16xi32>, vector<16xi32>], vector<16xf32>,
      %mul3A_342 = arith.constant 16 : i32
      %mul3A_343 = arith.muli %scan3A_61, %mul3A_342 : i32
      %swap3A_344 = arith.constant 30 : i32
      %swap3A_345 = arith.index_cast %swap3A_344 : i32 to index
      %swap3A_346 = arith.index_cast %mul3A_343 : i32 to index
      %swap3A_347 = tpu.vector_load %arg7[%swap3A_345, %swap3A_346] {strides = array<i32>} : memref<64x512xf32, #tpu.memory_space<vmem>>, vector<16xf32>,
      tpu.vector_store %arg7[%swap3A_345, %swap3A_346], %gather3A_341 {strides = array<i32>} : memref<64x512xf32, #tpu.memory_space<vmem>>, vector<16xf32>,
      %broadcast_in_dim3A_348 = arith.constant 31 : i32
      %broadcast_in_dim3A_349 = vector.broadcast %broadcast_in_dim3A_348 : i32 to vector<16xi32>
      %gather3A_350 = tpu.vector_load_idx %arg6[%broadcast_in_dim3A_349, %get3A_66] : memref<64x1024xf32, #tpu.memory_space<vmem>>[vector<16xi32>, vector<16xi32>], vector<16xf32>,
      %mul3A_351 = arith.constant 16 : i32
      %mul3A_352 = arith.muli %scan3A_61, %mul3A_351 : i32
      %swap3A_353 = arith.constant 31 : i32
      %swap3A_354 = arith.index_cast %swap3A_353 : i32 to index
      %swap3A_355 = arith.index_cast %mul3A_352 : i32 to index
      %swap3A_356 = tpu.vector_load %arg7[%swap3A_354, %swap3A_355] {strides = array<i32>} : memref<64x512xf32, #tpu.memory_space<vmem>>, vector<16xf32>,
      tpu.vector_store %arg7[%swap3A_354, %swap3A_355], %gather3A_350 {strides = array<i32>} : memref<64x512xf32, #tpu.memory_space<vmem>>, vector<16xf32>,
      %broadcast_in_dim3A_357 = arith.constant 32 : i32
      %broadcast_in_dim3A_358 = vector.broadcast %broadcast_in_dim3A_357 : i32 to vector<16xi32>
      %gather3A_359 = tpu.vector_load_idx %arg6[%broadcast_in_dim3A_358, %get3A_66] : memref<64x1024xf32, #tpu.memory_space<vmem>>[vector<16xi32>, vector<16xi32>], vector<16xf32>,
      %mul3A_360 = arith.constant 16 : i32
      %mul3A_361 = arith.muli %scan3A_61, %mul3A_360 : i32
      %swap3A_362 = arith.constant 32 : i32
      %swap3A_363 = arith.index_cast %swap3A_362 : i32 to index
      %swap3A_364 = arith.index_cast %mul3A_361 : i32 to index
      %swap3A_365 = tpu.vector_load %arg7[%swap3A_363, %swap3A_364] {strides = array<i32>} : memref<64x512xf32, #tpu.memory_space<vmem>>, vector<16xf32>,
      tpu.vector_store %arg7[%swap3A_363, %swap3A_364], %gather3A_359 {strides = array<i32>} : memref<64x512xf32, #tpu.memory_space<vmem>>, vector<16xf32>,
      %broadcast_in_dim3A_366 = arith.constant 33 : i32
      %broadcast_in_dim3A_367 = vector.broadcast %broadcast_in_dim3A_366 : i32 to vector<16xi32>
      %gather3A_368 = tpu.vector_load_idx %arg6[%broadcast_in_dim3A_367, %get3A_66] : memref<64x1024xf32, #tpu.memory_space<vmem>>[vector<16xi32>, vector<16xi32>], vector<16xf32>,
      %mul3A_369 = arith.constant 16 : i32
      %mul3A_370 = arith.muli %scan3A_61, %mul3A_369 : i32
      %swap3A_371 = arith.constant 33 : i32
      %swap3A_372 = arith.index_cast %swap3A_371 : i32 to index
      %swap3A_373 = arith.index_cast %mul3A_370 : i32 to index
      %swap3A_374 = tpu.vector_load %arg7[%swap3A_372, %swap3A_373] {strides = array<i32>} : memref<64x512xf32, #tpu.memory_space<vmem>>, vector<16xf32>,
      tpu.vector_store %arg7[%swap3A_372, %swap3A_373], %gather3A_368 {strides = array<i32>} : memref<64x512xf32, #tpu.memory_space<vmem>>, vector<16xf32>,
      %broadcast_in_dim3A_375 = arith.constant 34 : i32
      %broadcast_in_dim3A_376 = vector.broadcast %broadcast_in_dim3A_375 : i32 to vector<16xi32>
      %gather3A_377 = tpu.vector_load_idx %arg6[%broadcast_in_dim3A_376, %get3A_66] : memref<64x1024xf32, #tpu.memory_space<vmem>>[vector<16xi32>, vector<16xi32>], vector<16xf32>,
      %mul3A_378 = arith.constant 16 : i32
      %mul3A_379 = arith.muli %scan3A_61, %mul3A_378 : i32
      %swap3A_380 = arith.constant 34 : i32
      %swap3A_381 = arith.index_cast %swap3A_380 : i32 to index
      %swap3A_382 = arith.index_cast %mul3A_379 : i32 to index
      %swap3A_383 = tpu.vector_load %arg7[%swap3A_381, %swap3A_382] {strides = array<i32>} : memref<64x512xf32, #tpu.memory_space<vmem>>, vector<16xf32>,
      tpu.vector_store %arg7[%swap3A_381, %swap3A_382], %gather3A_377 {strides = array<i32>} : memref<64x512xf32, #tpu.memory_space<vmem>>, vector<16xf32>,
      %broadcast_in_dim3A_384 = arith.constant 35 : i32
      %broadcast_in_dim3A_385 = vector.broadcast %broadcast_in_dim3A_384 : i32 to vector<16xi32>
      %gather3A_386 = tpu.vector_load_idx %arg6[%broadcast_in_dim3A_385, %get3A_66] : memref<64x1024xf32, #tpu.memory_space<vmem>>[vector<16xi32>, vector<16xi32>], vector<16xf32>,
      %mul3A_387 = arith.constant 16 : i32
      %mul3A_388 = arith.muli %scan3A_61, %mul3A_387 : i32
      %swap3A_389 = arith.constant 35 : i32
      %swap3A_390 = arith.index_cast %swap3A_389 : i32 to index
      %swap3A_391 = arith.index_cast %mul3A_388 : i32 to index
      %swap3A_392 = tpu.vector_load %arg7[%swap3A_390, %swap3A_391] {strides = array<i32>} : memref<64x512xf32, #tpu.memory_space<vmem>>, vector<16xf32>,
      tpu.vector_store %arg7[%swap3A_390, %swap3A_391], %gather3A_386 {strides = array<i32>} : memref<64x512xf32, #tpu.memory_space<vmem>>, vector<16xf32>,
      %broadcast_in_dim3A_393 = arith.constant 36 : i32
      %broadcast_in_dim3A_394 = vector.broadcast %broadcast_in_dim3A_393 : i32 to vector<16xi32>
      %gather3A_395 = tpu.vector_load_idx %arg6[%broadcast_in_dim3A_394, %get3A_66] : memref<64x1024xf32, #tpu.memory_space<vmem>>[vector<16xi32>, vector<16xi32>], vector<16xf32>,
      %mul3A_396 = arith.constant 16 : i32
      %mul3A_397 = arith.muli %scan3A_61, %mul3A_396 : i32
      %swap3A_398 = arith.constant 36 : i32
      %swap3A_399 = arith.index_cast %swap3A_398 : i32 to index
      %swap3A_400 = arith.index_cast %mul3A_397 : i32 to index
      %swap3A_401 = tpu.vector_load %arg7[%swap3A_399, %swap3A_400] {strides = array<i32>} : memref<64x512xf32, #tpu.memory_space<vmem>>, vector<16xf32>,
      tpu.vector_store %arg7[%swap3A_399, %swap3A_400], %gather3A_395 {strides = array<i32>} : memref<64x512xf32, #tpu.memory_space<vmem>>, vector<16xf32>,
      %broadcast_in_dim3A_402 = arith.constant 37 : i32
      %broadcast_in_dim3A_403 = vector.broadcast %broadcast_in_dim3A_402 : i32 to vector<16xi32>
      %gather3A_404 = tpu.vector_load_idx %arg6[%broadcast_in_dim3A_403, %get3A_66] : memref<64x1024xf32, #tpu.memory_space<vmem>>[vector<16xi32>, vector<16xi32>], vector<16xf32>,
      %mul3A_405 = arith.constant 16 : i32
      %mul3A_406 = arith.muli %scan3A_61, %mul3A_405 : i32
      %swap3A_407 = arith.constant 37 : i32
      %swap3A_408 = arith.index_cast %swap3A_407 : i32 to index
      %swap3A_409 = arith.index_cast %mul3A_406 : i32 to index
      %swap3A_410 = tpu.vector_load %arg7[%swap3A_408, %swap3A_409] {strides = array<i32>} : memref<64x512xf32, #tpu.memory_space<vmem>>, vector<16xf32>,
      tpu.vector_store %arg7[%swap3A_408, %swap3A_409], %gather3A_404 {strides = array<i32>} : memref<64x512xf32, #tpu.memory_space<vmem>>, vector<16xf32>,
      %broadcast_in_dim3A_411 = arith.constant 38 : i32
      %broadcast_in_dim3A_412 = vector.broadcast %broadcast_in_dim3A_411 : i32 to vector<16xi32>
      %gather3A_413 = tpu.vector_load_idx %arg6[%broadcast_in_dim3A_412, %get3A_66] : memref<64x1024xf32, #tpu.memory_space<vmem>>[vector<16xi32>, vector<16xi32>], vector<16xf32>,
      %mul3A_414 = arith.constant 16 : i32
      %mul3A_415 = arith.muli %scan3A_61, %mul3A_414 : i32
      %swap3A_416 = arith.constant 38 : i32
      %swap3A_417 = arith.index_cast %swap3A_416 : i32 to index
      %swap3A_418 = arith.index_cast %mul3A_415 : i32 to index
      %swap3A_419 = tpu.vector_load %arg7[%swap3A_417, %swap3A_418] {strides = array<i32>} : memref<64x512xf32, #tpu.memory_space<vmem>>, vector<16xf32>,
      tpu.vector_store %arg7[%swap3A_417, %swap3A_418], %gather3A_413 {strides = array<i32>} : memref<64x512xf32, #tpu.memory_space<vmem>>, vector<16xf32>,
      %broadcast_in_dim3A_420 = arith.constant 39 : i32
      %broadcast_in_dim3A_421 = vector.broadcast %broadcast_in_dim3A_420 : i32 to vector<16xi32>
      %gather3A_422 = tpu.vector_load_idx %arg6[%broadcast_in_dim3A_421, %get3A_66] : memref<64x1024xf32, #tpu.memory_space<vmem>>[vector<16xi32>, vector<16xi32>], vector<16xf32>,
      %mul3A_423 = arith.constant 16 : i32
      %mul3A_424 = arith.muli %scan3A_61, %mul3A_423 : i32
      %swap3A_425 = arith.constant 39 : i32
      %swap3A_426 = arith.index_cast %swap3A_425 : i32 to index
      %swap3A_427 = arith.index_cast %mul3A_424 : i32 to index
      %swap3A_428 = tpu.vector_load %arg7[%swap3A_426, %swap3A_427] {strides = array<i32>} : memref<64x512xf32, #tpu.memory_space<vmem>>, vector<16xf32>,
      tpu.vector_store %arg7[%swap3A_426, %swap3A_427], %gather3A_422 {strides = array<i32>} : memref<64x512xf32, #tpu.memory_space<vmem>>, vector<16xf32>,
      %broadcast_in_dim3A_429 = arith.constant 40 : i32
      %broadcast_in_dim3A_430 = vector.broadcast %broadcast_in_dim3A_429 : i32 to vector<16xi32>
      %gather3A_431 = tpu.vector_load_idx %arg6[%broadcast_in_dim3A_430, %get3A_66] : memref<64x1024xf32, #tpu.memory_space<vmem>>[vector<16xi32>, vector<16xi32>], vector<16xf32>,
      %mul3A_432 = arith.constant 16 : i32
      %mul3A_433 = arith.muli %scan3A_61, %mul3A_432 : i32
      %swap3A_434 = arith.constant 40 : i32
      %swap3A_435 = arith.index_cast %swap3A_434 : i32 to index
      %swap3A_436 = arith.index_cast %mul3A_433 : i32 to index
      %swap3A_437 = tpu.vector_load %arg7[%swap3A_435, %swap3A_436] {strides = array<i32>} : memref<64x512xf32, #tpu.memory_space<vmem>>, vector<16xf32>,
      tpu.vector_store %arg7[%swap3A_435, %swap3A_436], %gather3A_431 {strides = array<i32>} : memref<64x512xf32, #tpu.memory_space<vmem>>, vector<16xf32>,
      %broadcast_in_dim3A_438 = arith.constant 41 : i32
      %broadcast_in_dim3A_439 = vector.broadcast %broadcast_in_dim3A_438 : i32 to vector<16xi32>
      %gather3A_440 = tpu.vector_load_idx %arg6[%broadcast_in_dim3A_439, %get3A_66] : memref<64x1024xf32, #tpu.memory_space<vmem>>[vector<16xi32>, vector<16xi32>], vector<16xf32>,
      %mul3A_441 = arith.constant 16 : i32
      %mul3A_442 = arith.muli %scan3A_61, %mul3A_441 : i32
      %swap3A_443 = arith.constant 41 : i32
      %swap3A_444 = arith.index_cast %swap3A_443 : i32 to index
      %swap3A_445 = arith.index_cast %mul3A_442 : i32 to index
      %swap3A_446 = tpu.vector_load %arg7[%swap3A_444, %swap3A_445] {strides = array<i32>} : memref<64x512xf32, #tpu.memory_space<vmem>>, vector<16xf32>,
      tpu.vector_store %arg7[%swap3A_444, %swap3A_445], %gather3A_440 {strides = array<i32>} : memref<64x512xf32, #tpu.memory_space<vmem>>, vector<16xf32>,
      %broadcast_in_dim3A_447 = arith.constant 42 : i32
      %broadcast_in_dim3A_448 = vector.broadcast %broadcast_in_dim3A_447 : i32 to vector<16xi32>
      %gather3A_449 = tpu.vector_load_idx %arg6[%broadcast_in_dim3A_448, %get3A_66] : memref<64x1024xf32, #tpu.memory_space<vmem>>[vector<16xi32>, vector<16xi32>], vector<16xf32>,
      %mul3A_450 = arith.constant 16 : i32
      %mul3A_451 = arith.muli %scan3A_61, %mul3A_450 : i32
      %swap3A_452 = arith.constant 42 : i32
      %swap3A_453 = arith.index_cast %swap3A_452 : i32 to index
      %swap3A_454 = arith.index_cast %mul3A_451 : i32 to index
      %swap3A_455 = tpu.vector_load %arg7[%swap3A_453, %swap3A_454] {strides = array<i32>} : memref<64x512xf32, #tpu.memory_space<vmem>>, vector<16xf32>,
      tpu.vector_store %arg7[%swap3A_453, %swap3A_454], %gather3A_449 {strides = array<i32>} : memref<64x512xf32, #tpu.memory_space<vmem>>, vector<16xf32>,
      %broadcast_in_dim3A_456 = arith.constant 43 : i32
      %broadcast_in_dim3A_457 = vector.broadcast %broadcast_in_dim3A_456 : i32 to vector<16xi32>
      %gather3A_458 = tpu.vector_load_idx %arg6[%broadcast_in_dim3A_457, %get3A_66] : memref<64x1024xf32, #tpu.memory_space<vmem>>[vector<16xi32>, vector<16xi32>], vector<16xf32>,
      %mul3A_459 = arith.constant 16 : i32
      %mul3A_460 = arith.muli %scan3A_61, %mul3A_459 : i32
      %swap3A_461 = arith.constant 43 : i32
      %swap3A_462 = arith.index_cast %swap3A_461 : i32 to index
      %swap3A_463 = arith.index_cast %mul3A_460 : i32 to index
      %swap3A_464 = tpu.vector_load %arg7[%swap3A_462, %swap3A_463] {strides = array<i32>} : memref<64x512xf32, #tpu.memory_space<vmem>>, vector<16xf32>,
      tpu.vector_store %arg7[%swap3A_462, %swap3A_463], %gather3A_458 {strides = array<i32>} : memref<64x512xf32, #tpu.memory_space<vmem>>, vector<16xf32>,
      %broadcast_in_dim3A_465 = arith.constant 44 : i32
      %broadcast_in_dim3A_466 = vector.broadcast %broadcast_in_dim3A_465 : i32 to vector<16xi32>
      %gather3A_467 = tpu.vector_load_idx %arg6[%broadcast_in_dim3A_466, %get3A_66] : memref<64x1024xf32, #tpu.memory_space<vmem>>[vector<16xi32>, vector<16xi32>], vector<16xf32>,
      %mul3A_468 = arith.constant 16 : i32
      %mul3A_469 = arith.muli %scan3A_61, %mul3A_468 : i32
      %swap3A_470 = arith.constant 44 : i32
      %swap3A_471 = arith.index_cast %swap3A_470 : i32 to index
      %swap3A_472 = arith.index_cast %mul3A_469 : i32 to index
      %swap3A_473 = tpu.vector_load %arg7[%swap3A_471, %swap3A_472] {strides = array<i32>} : memref<64x512xf32, #tpu.memory_space<vmem>>, vector<16xf32>,
      tpu.vector_store %arg7[%swap3A_471, %swap3A_472], %gather3A_467 {strides = array<i32>} : memref<64x512xf32, #tpu.memory_space<vmem>>, vector<16xf32>,
      %broadcast_in_dim3A_474 = arith.constant 45 : i32
      %broadcast_in_dim3A_475 = vector.broadcast %broadcast_in_dim3A_474 : i32 to vector<16xi32>
      %gather3A_476 = tpu.vector_load_idx %arg6[%broadcast_in_dim3A_475, %get3A_66] : memref<64x1024xf32, #tpu.memory_space<vmem>>[vector<16xi32>, vector<16xi32>], vector<16xf32>,
      %mul3A_477 = arith.constant 16 : i32
      %mul3A_478 = arith.muli %scan3A_61, %mul3A_477 : i32
      %swap3A_479 = arith.constant 45 : i32
      %swap3A_480 = arith.index_cast %swap3A_479 : i32 to index
      %swap3A_481 = arith.index_cast %mul3A_478 : i32 to index
      %swap3A_482 = tpu.vector_load %arg7[%swap3A_480, %swap3A_481] {strides = array<i32>} : memref<64x512xf32, #tpu.memory_space<vmem>>, vector<16xf32>,
      tpu.vector_store %arg7[%swap3A_480, %swap3A_481], %gather3A_476 {strides = array<i32>} : memref<64x512xf32, #tpu.memory_space<vmem>>, vector<16xf32>,
      %broadcast_in_dim3A_483 = arith.constant 46 : i32
      %broadcast_in_dim3A_484 = vector.broadcast %broadcast_in_dim3A_483 : i32 to vector<16xi32>
      %gather3A_485 = tpu.vector_load_idx %arg6[%broadcast_in_dim3A_484, %get3A_66] : memref<64x1024xf32, #tpu.memory_space<vmem>>[vector<16xi32>, vector<16xi32>], vector<16xf32>,
      %mul3A_486 = arith.constant 16 : i32
      %mul3A_487 = arith.muli %scan3A_61, %mul3A_486 : i32
      %swap3A_488 = arith.constant 46 : i32
      %swap3A_489 = arith.index_cast %swap3A_488 : i32 to index
      %swap3A_490 = arith.index_cast %mul3A_487 : i32 to index
      %swap3A_491 = tpu.vector_load %arg7[%swap3A_489, %swap3A_490] {strides = array<i32>} : memref<64x512xf32, #tpu.memory_space<vmem>>, vector<16xf32>,
      tpu.vector_store %arg7[%swap3A_489, %swap3A_490], %gather3A_485 {strides = array<i32>} : memref<64x512xf32, #tpu.memory_space<vmem>>, vector<16xf32>,
      %broadcast_in_dim3A_492 = arith.constant 47 : i32
      %broadcast_in_dim3A_493 = vector.broadcast %broadcast_in_dim3A_492 : i32 to vector<16xi32>
      %gather3A_494 = tpu.vector_load_idx %arg6[%broadcast_in_dim3A_493, %get3A_66] : memref<64x1024xf32, #tpu.memory_space<vmem>>[vector<16xi32>, vector<16xi32>], vector<16xf32>,
      %mul3A_495 = arith.constant 16 : i32
      %mul3A_496 = arith.muli %scan3A_61, %mul3A_495 : i32
      %swap3A_497 = arith.constant 47 : i32
      %swap3A_498 = arith.index_cast %swap3A_497 : i32 to index
      %swap3A_499 = arith.index_cast %mul3A_496 : i32 to index
      %swap3A_500 = tpu.vector_load %arg7[%swap3A_498, %swap3A_499] {strides = array<i32>} : memref<64x512xf32, #tpu.memory_space<vmem>>, vector<16xf32>,
      tpu.vector_store %arg7[%swap3A_498, %swap3A_499], %gather3A_494 {strides = array<i32>} : memref<64x512xf32, #tpu.memory_space<vmem>>, vector<16xf32>,
      %broadcast_in_dim3A_501 = arith.constant 48 : i32
      %broadcast_in_dim3A_502 = vector.broadcast %broadcast_in_dim3A_501 : i32 to vector<16xi32>
      %gather3A_503 = tpu.vector_load_idx %arg6[%broadcast_in_dim3A_502, %get3A_66] : memref<64x1024xf32, #tpu.memory_space<vmem>>[vector<16xi32>, vector<16xi32>], vector<16xf32>,
      %mul3A_504 = arith.constant 16 : i32
      %mul3A_505 = arith.muli %scan3A_61, %mul3A_504 : i32
      %swap3A_506 = arith.constant 48 : i32
      %swap3A_507 = arith.index_cast %swap3A_506 : i32 to index
      %swap3A_508 = arith.index_cast %mul3A_505 : i32 to index
      %swap3A_509 = tpu.vector_load %arg7[%swap3A_507, %swap3A_508] {strides = array<i32>} : memref<64x512xf32, #tpu.memory_space<vmem>>, vector<16xf32>,
      tpu.vector_store %arg7[%swap3A_507, %swap3A_508], %gather3A_503 {strides = array<i32>} : memref<64x512xf32, #tpu.memory_space<vmem>>, vector<16xf32>,
      %broadcast_in_dim3A_510 = arith.constant 49 : i32
      %broadcast_in_dim3A_511 = vector.broadcast %broadcast_in_dim3A_510 : i32 to vector<16xi32>
      %gather3A_512 = tpu.vector_load_idx %arg6[%broadcast_in_dim3A_511, %get3A_66] : memref<64x1024xf32, #tpu.memory_space<vmem>>[vector<16xi32>, vector<16xi32>], vector<16xf32>,
      %mul3A_513 = arith.constant 16 : i32
      %mul3A_514 = arith.muli %scan3A_61, %mul3A_513 : i32
      %swap3A_515 = arith.constant 49 : i32
      %swap3A_516 = arith.index_cast %swap3A_515 : i32 to index
      %swap3A_517 = arith.index_cast %mul3A_514 : i32 to index
      %swap3A_518 = tpu.vector_load %arg7[%swap3A_516, %swap3A_517] {strides = array<i32>} : memref<64x512xf32, #tpu.memory_space<vmem>>, vector<16xf32>,
      tpu.vector_store %arg7[%swap3A_516, %swap3A_517], %gather3A_512 {strides = array<i32>} : memref<64x512xf32, #tpu.memory_space<vmem>>, vector<16xf32>,
      %broadcast_in_dim3A_519 = arith.constant 50 : i32
      %broadcast_in_dim3A_520 = vector.broadcast %broadcast_in_dim3A_519 : i32 to vector<16xi32>
      %gather3A_521 = tpu.vector_load_idx %arg6[%broadcast_in_dim3A_520, %get3A_66] : memref<64x1024xf32, #tpu.memory_space<vmem>>[vector<16xi32>, vector<16xi32>], vector<16xf32>,
      %mul3A_522 = arith.constant 16 : i32
      %mul3A_523 = arith.muli %scan3A_61, %mul3A_522 : i32
      %swap3A_524 = arith.constant 50 : i32
      %swap3A_525 = arith.index_cast %swap3A_524 : i32 to index
      %swap3A_526 = arith.index_cast %mul3A_523 : i32 to index
      %swap3A_527 = tpu.vector_load %arg7[%swap3A_525, %swap3A_526] {strides = array<i32>} : memref<64x512xf32, #tpu.memory_space<vmem>>, vector<16xf32>,
      tpu.vector_store %arg7[%swap3A_525, %swap3A_526], %gather3A_521 {strides = array<i32>} : memref<64x512xf32, #tpu.memory_space<vmem>>, vector<16xf32>,
      %broadcast_in_dim3A_528 = arith.constant 51 : i32
      %broadcast_in_dim3A_529 = vector.broadcast %broadcast_in_dim3A_528 : i32 to vector<16xi32>
      %gather3A_530 = tpu.vector_load_idx %arg6[%broadcast_in_dim3A_529, %get3A_66] : memref<64x1024xf32, #tpu.memory_space<vmem>>[vector<16xi32>, vector<16xi32>], vector<16xf32>,
      %mul3A_531 = arith.constant 16 : i32
      %mul3A_532 = arith.muli %scan3A_61, %mul3A_531 : i32
      %swap3A_533 = arith.constant 51 : i32
      %swap3A_534 = arith.index_cast %swap3A_533 : i32 to index
      %swap3A_535 = arith.index_cast %mul3A_532 : i32 to index
      %swap3A_536 = tpu.vector_load %arg7[%swap3A_534, %swap3A_535] {strides = array<i32>} : memref<64x512xf32, #tpu.memory_space<vmem>>, vector<16xf32>,
      tpu.vector_store %arg7[%swap3A_534, %swap3A_535], %gather3A_530 {strides = array<i32>} : memref<64x512xf32, #tpu.memory_space<vmem>>, vector<16xf32>,
      %broadcast_in_dim3A_537 = arith.constant 52 : i32
      %broadcast_in_dim3A_538 = vector.broadcast %broadcast_in_dim3A_537 : i32 to vector<16xi32>
      %gather3A_539 = tpu.vector_load_idx %arg6[%broadcast_in_dim3A_538, %get3A_66] : memref<64x1024xf32, #tpu.memory_space<vmem>>[vector<16xi32>, vector<16xi32>], vector<16xf32>,
      %mul3A_540 = arith.constant 16 : i32
      %mul3A_541 = arith.muli %scan3A_61, %mul3A_540 : i32
      %swap3A_542 = arith.constant 52 : i32
      %swap3A_543 = arith.index_cast %swap3A_542 : i32 to index
      %swap3A_544 = arith.index_cast %mul3A_541 : i32 to index
      %swap3A_545 = tpu.vector_load %arg7[%swap3A_543, %swap3A_544] {strides = array<i32>} : memref<64x512xf32, #tpu.memory_space<vmem>>, vector<16xf32>,
      tpu.vector_store %arg7[%swap3A_543, %swap3A_544], %gather3A_539 {strides = array<i32>} : memref<64x512xf32, #tpu.memory_space<vmem>>, vector<16xf32>,
      %broadcast_in_dim3A_546 = arith.constant 53 : i32
      %broadcast_in_dim3A_547 = vector.broadcast %broadcast_in_dim3A_546 : i32 to vector<16xi32>
      %gather3A_548 = tpu.vector_load_idx %arg6[%broadcast_in_dim3A_547, %get3A_66] : memref<64x1024xf32, #tpu.memory_space<vmem>>[vector<16xi32>, vector<16xi32>], vector<16xf32>,
      %mul3A_549 = arith.constant 16 : i32
      %mul3A_550 = arith.muli %scan3A_61, %mul3A_549 : i32
      %swap3A_551 = arith.constant 53 : i32
      %swap3A_552 = arith.index_cast %swap3A_551 : i32 to index
      %swap3A_553 = arith.index_cast %mul3A_550 : i32 to index
      %swap3A_554 = tpu.vector_load %arg7[%swap3A_552, %swap3A_553] {strides = array<i32>} : memref<64x512xf32, #tpu.memory_space<vmem>>, vector<16xf32>,
      tpu.vector_store %arg7[%swap3A_552, %swap3A_553], %gather3A_548 {strides = array<i32>} : memref<64x512xf32, #tpu.memory_space<vmem>>, vector<16xf32>,
      %broadcast_in_dim3A_555 = arith.constant 54 : i32
      %broadcast_in_dim3A_556 = vector.broadcast %broadcast_in_dim3A_555 : i32 to vector<16xi32>
      %gather3A_557 = tpu.vector_load_idx %arg6[%broadcast_in_dim3A_556, %get3A_66] : memref<64x1024xf32, #tpu.memory_space<vmem>>[vector<16xi32>, vector<16xi32>], vector<16xf32>,
      %mul3A_558 = arith.constant 16 : i32
      %mul3A_559 = arith.muli %scan3A_61, %mul3A_558 : i32
      %swap3A_560 = arith.constant 54 : i32
      %swap3A_561 = arith.index_cast %swap3A_560 : i32 to index
      %swap3A_562 = arith.index_cast %mul3A_559 : i32 to index
      %swap3A_563 = tpu.vector_load %arg7[%swap3A_561, %swap3A_562] {strides = array<i32>} : memref<64x512xf32, #tpu.memory_space<vmem>>, vector<16xf32>,
      tpu.vector_store %arg7[%swap3A_561, %swap3A_562], %gather3A_557 {strides = array<i32>} : memref<64x512xf32, #tpu.memory_space<vmem>>, vector<16xf32>,
      %broadcast_in_dim3A_564 = arith.constant 55 : i32
      %broadcast_in_dim3A_565 = vector.broadcast %broadcast_in_dim3A_564 : i32 to vector<16xi32>
      %gather3A_566 = tpu.vector_load_idx %arg6[%broadcast_in_dim3A_565, %get3A_66] : memref<64x1024xf32, #tpu.memory_space<vmem>>[vector<16xi32>, vector<16xi32>], vector<16xf32>,
      %mul3A_567 = arith.constant 16 : i32
      %mul3A_568 = arith.muli %scan3A_61, %mul3A_567 : i32
      %swap3A_569 = arith.constant 55 : i32
      %swap3A_570 = arith.index_cast %swap3A_569 : i32 to index
      %swap3A_571 = arith.index_cast %mul3A_568 : i32 to index
      %swap3A_572 = tpu.vector_load %arg7[%swap3A_570, %swap3A_571] {strides = array<i32>} : memref<64x512xf32, #tpu.memory_space<vmem>>, vector<16xf32>,
      tpu.vector_store %arg7[%swap3A_570, %swap3A_571], %gather3A_566 {strides = array<i32>} : memref<64x512xf32, #tpu.memory_space<vmem>>, vector<16xf32>,
      %broadcast_in_dim3A_573 = arith.constant 56 : i32
      %broadcast_in_dim3A_574 = vector.broadcast %broadcast_in_dim3A_573 : i32 to vector<16xi32>
      %gather3A_575 = tpu.vector_load_idx %arg6[%broadcast_in_dim3A_574, %get3A_66] : memref<64x1024xf32, #tpu.memory_space<vmem>>[vector<16xi32>, vector<16xi32>], vector<16xf32>,
      %mul3A_576 = arith.constant 16 : i32
      %mul3A_577 = arith.muli %scan3A_61, %mul3A_576 : i32
      %swap3A_578 = arith.constant 56 : i32
      %swap3A_579 = arith.index_cast %swap3A_578 : i32 to index
      %swap3A_580 = arith.index_cast %mul3A_577 : i32 to index
      %swap3A_581 = tpu.vector_load %arg7[%swap3A_579, %swap3A_580] {strides = array<i32>} : memref<64x512xf32, #tpu.memory_space<vmem>>, vector<16xf32>,
      tpu.vector_store %arg7[%swap3A_579, %swap3A_580], %gather3A_575 {strides = array<i32>} : memref<64x512xf32, #tpu.memory_space<vmem>>, vector<16xf32>,
      %broadcast_in_dim3A_582 = arith.constant 57 : i32
      %broadcast_in_dim3A_583 = vector.broadcast %broadcast_in_dim3A_582 : i32 to vector<16xi32>
      %gather3A_584 = tpu.vector_load_idx %arg6[%broadcast_in_dim3A_583, %get3A_66] : memref<64x1024xf32, #tpu.memory_space<vmem>>[vector<16xi32>, vector<16xi32>], vector<16xf32>,
      %mul3A_585 = arith.constant 16 : i32
      %mul3A_586 = arith.muli %scan3A_61, %mul3A_585 : i32
      %swap3A_587 = arith.constant 57 : i32
      %swap3A_588 = arith.index_cast %swap3A_587 : i32 to index
      %swap3A_589 = arith.index_cast %mul3A_586 : i32 to index
      %swap3A_590 = tpu.vector_load %arg7[%swap3A_588, %swap3A_589] {strides = array<i32>} : memref<64x512xf32, #tpu.memory_space<vmem>>, vector<16xf32>,
      tpu.vector_store %arg7[%swap3A_588, %swap3A_589], %gather3A_584 {strides = array<i32>} : memref<64x512xf32, #tpu.memory_space<vmem>>, vector<16xf32>,
      %broadcast_in_dim3A_591 = arith.constant 58 : i32
      %broadcast_in_dim3A_592 = vector.broadcast %broadcast_in_dim3A_591 : i32 to vector<16xi32>
      %gather3A_593 = tpu.vector_load_idx %arg6[%broadcast_in_dim3A_592, %get3A_66] : memref<64x1024xf32, #tpu.memory_space<vmem>>[vector<16xi32>, vector<16xi32>], vector<16xf32>,
      %mul3A_594 = arith.constant 16 : i32
      %mul3A_595 = arith.muli %scan3A_61, %mul3A_594 : i32
      %swap3A_596 = arith.constant 58 : i32
      %swap3A_597 = arith.index_cast %swap3A_596 : i32 to index
      %swap3A_598 = arith.index_cast %mul3A_595 : i32 to index
      %swap3A_599 = tpu.vector_load %arg7[%swap3A_597, %swap3A_598] {strides = array<i32>} : memref<64x512xf32, #tpu.memory_space<vmem>>, vector<16xf32>,
      tpu.vector_store %arg7[%swap3A_597, %swap3A_598], %gather3A_593 {strides = array<i32>} : memref<64x512xf32, #tpu.memory_space<vmem>>, vector<16xf32>,
      %broadcast_in_dim3A_600 = arith.constant 59 : i32
      %broadcast_in_dim3A_601 = vector.broadcast %broadcast_in_dim3A_600 : i32 to vector<16xi32>
      %gather3A_602 = tpu.vector_load_idx %arg6[%broadcast_in_dim3A_601, %get3A_66] : memref<64x1024xf32, #tpu.memory_space<vmem>>[vector<16xi32>, vector<16xi32>], vector<16xf32>,
      %mul3A_603 = arith.constant 16 : i32
      %mul3A_604 = arith.muli %scan3A_61, %mul3A_603 : i32
      %swap3A_605 = arith.constant 59 : i32
      %swap3A_606 = arith.index_cast %swap3A_605 : i32 to index
      %swap3A_607 = arith.index_cast %mul3A_604 : i32 to index
      %swap3A_608 = tpu.vector_load %arg7[%swap3A_606, %swap3A_607] {strides = array<i32>} : memref<64x512xf32, #tpu.memory_space<vmem>>, vector<16xf32>,
      tpu.vector_store %arg7[%swap3A_606, %swap3A_607], %gather3A_602 {strides = array<i32>} : memref<64x512xf32, #tpu.memory_space<vmem>>, vector<16xf32>,
      %broadcast_in_dim3A_609 = arith.constant 60 : i32
      %broadcast_in_dim3A_610 = vector.broadcast %broadcast_in_dim3A_609 : i32 to vector<16xi32>
      %gather3A_611 = tpu.vector_load_idx %arg6[%broadcast_in_dim3A_610, %get3A_66] : memref<64x1024xf32, #tpu.memory_space<vmem>>[vector<16xi32>, vector<16xi32>], vector<16xf32>,
      %mul3A_612 = arith.constant 16 : i32
      %mul3A_613 = arith.muli %scan3A_61, %mul3A_612 : i32
      %swap3A_614 = arith.constant 60 : i32
      %swap3A_615 = arith.index_cast %swap3A_614 : i32 to index
      %swap3A_616 = arith.index_cast %mul3A_613 : i32 to index
      %swap3A_617 = tpu.vector_load %arg7[%swap3A_615, %swap3A_616] {strides = array<i32>} : memref<64x512xf32, #tpu.memory_space<vmem>>, vector<16xf32>,
      tpu.vector_store %arg7[%swap3A_615, %swap3A_616], %gather3A_611 {strides = array<i32>} : memref<64x512xf32, #tpu.memory_space<vmem>>, vector<16xf32>,
      %broadcast_in_dim3A_618 = arith.constant 61 : i32
      %broadcast_in_dim3A_619 = vector.broadcast %broadcast_in_dim3A_618 : i32 to vector<16xi32>
      %gather3A_620 = tpu.vector_load_idx %arg6[%broadcast_in_dim3A_619, %get3A_66] : memref<64x1024xf32, #tpu.memory_space<vmem>>[vector<16xi32>, vector<16xi32>], vector<16xf32>,
      %mul3A_621 = arith.constant 16 : i32
      %mul3A_622 = arith.muli %scan3A_61, %mul3A_621 : i32
      %swap3A_623 = arith.constant 61 : i32
      %swap3A_624 = arith.index_cast %swap3A_623 : i32 to index
      %swap3A_625 = arith.index_cast %mul3A_622 : i32 to index
      %swap3A_626 = tpu.vector_load %arg7[%swap3A_624, %swap3A_625] {strides = array<i32>} : memref<64x512xf32, #tpu.memory_space<vmem>>, vector<16xf32>,
      tpu.vector_store %arg7[%swap3A_624, %swap3A_625], %gather3A_620 {strides = array<i32>} : memref<64x512xf32, #tpu.memory_space<vmem>>, vector<16xf32>,
      %broadcast_in_dim3A_627 = arith.constant 62 : i32
      %broadcast_in_dim3A_628 = vector.broadcast %broadcast_in_dim3A_627 : i32 to vector<16xi32>
      %gather3A_629 = tpu.vector_load_idx %arg6[%broadcast_in_dim3A_628, %get3A_66] : memref<64x1024xf32, #tpu.memory_space<vmem>>[vector<16xi32>, vector<16xi32>], vector<16xf32>,
      %mul3A_630 = arith.constant 16 : i32
      %mul3A_631 = arith.muli %scan3A_61, %mul3A_630 : i32
      %swap3A_632 = arith.constant 62 : i32
      %swap3A_633 = arith.index_cast %swap3A_632 : i32 to index
      %swap3A_634 = arith.index_cast %mul3A_631 : i32 to index
      %swap3A_635 = tpu.vector_load %arg7[%swap3A_633, %swap3A_634] {strides = array<i32>} : memref<64x512xf32, #tpu.memory_space<vmem>>, vector<16xf32>,
      tpu.vector_store %arg7[%swap3A_633, %swap3A_634], %gather3A_629 {strides = array<i32>} : memref<64x512xf32, #tpu.memory_space<vmem>>, vector<16xf32>,
      %broadcast_in_dim3A_636 = arith.constant 63 : i32
      %broadcast_in_dim3A_637 = vector.broadcast %broadcast_in_dim3A_636 : i32 to vector<16xi32>
      %gather3A_638 = tpu.vector_load_idx %arg6[%broadcast_in_dim3A_637, %get3A_66] : memref<64x1024xf32, #tpu.memory_space<vmem>>[vector<16xi32>, vector<16xi32>], vector<16xf32>,
      %mul3A_639 = arith.constant 16 : i32
      %mul3A_640 = arith.muli %scan3A_61, %mul3A_639 : i32
      %swap3A_641 = arith.constant 63 : i32
      %swap3A_642 = arith.index_cast %swap3A_641 : i32 to index
      %swap3A_643 = arith.index_cast %mul3A_640 : i32 to index
      %swap3A_644 = tpu.vector_load %arg7[%swap3A_642, %swap3A_643] {strides = array<i32>} : memref<64x512xf32, #tpu.memory_space<vmem>>, vector<16xf32>,
      tpu.vector_store %arg7[%swap3A_642, %swap3A_643], %gather3A_638 {strides = array<i32>} : memref<64x512xf32, #tpu.memory_space<vmem>>, vector<16xf32>,
    }
    %scan3A_46 = arith.constant 32 : i32
    %add3A_47 = arith.constant 0 : i32
    %add3A_48 = arith.addi %mul3A_34, %add3A_47 : i32
    "tpu.region"() ({
      %run_scoped3A = tpu.sem_alloc : memref<!tpu.dma_semaphore, #tpu.memory_space<semaphore_mem>>
      %dma_start3A = arith.constant 0 : i32
      %dma_start3A_61 = tpu.memref_slice %arg4[%select_n3A, %dma_start3A, %add3A_48] : memref<4x64x8192xf32, #tpu.memory_space<hbm>> -> memref<1x64x512xf32, #tpu.memory_space<hbm>>
      %dma_start3A_62 = tpu.memref_squeeze %dma_start3A_61 : memref<1x64x512xf32, #tpu.memory_space<hbm>> -> memref<64x512xf32, #tpu.memory_space<hbm>>
      %dma_start3A_63 = arith.constant 0 : i32
      %dma_start3A_64 = tpu.memref_slice %arg4[%select_n3A, %dma_start3A_63, %add3A_48] : memref<4x64x8192xf32, #tpu.memory_space<hbm>> -> memref<1x64x512xf32, #tpu.memory_space<hbm>>
      %dma_start3A_65 = tpu.memref_squeeze %dma_start3A_64 : memref<1x64x512xf32, #tpu.memory_space<hbm>> -> memref<64x512xf32, #tpu.memory_space<hbm>>
      tpu.enqueue_dma source(%arg7 : memref<64x512xf32, #tpu.memory_space<vmem>>) target(%dma_start3A_65 : memref<64x512xf32, #tpu.memory_space<hbm>>) target_semaphore(%run_scoped3A : memref<!tpu.dma_semaphore, #tpu.memory_space<semaphore_mem>>)
      %dma_wait3A = arith.constant 0 : i32
      %dma_wait3A_66 = tpu.memref_slice %arg4[%select_n3A, %dma_wait3A, %add3A_48] : memref<4x64x8192xf32, #tpu.memory_space<hbm>> -> memref<1x64x512xf32, #tpu.memory_space<hbm>>
      %dma_wait3A_67 = tpu.memref_squeeze %dma_wait3A_66 : memref<1x64x512xf32, #tpu.memory_space<hbm>> -> memref<64x512xf32, #tpu.memory_space<hbm>>
      %dma_wait3A_68 = arith.constant 0 : i32
      %dma_wait3A_69 = tpu.memref_slice %arg4[%select_n3A, %dma_wait3A_68, %add3A_48] : memref<4x64x8192xf32, #tpu.memory_space<hbm>> -> memref<1x64x512xf32, #tpu.memory_space<hbm>>
      %dma_wait3A_70 = tpu.memref_squeeze %dma_wait3A_69 : memref<1x64x512xf32, #tpu.memory_space<hbm>> -> memref<64x512xf32, #tpu.memory_space<hbm>>
      tpu.wait_dma2 semaphore(%run_scoped3A : memref<!tpu.dma_semaphore, #tpu.memory_space<semaphore_mem>>) src(%arg7 : memref<64x512xf32, #tpu.memory_space<vmem>>) dst(%dma_wait3A_70 : memref<64x512xf32, #tpu.memory_space<hbm>>)
      tpu.yield
    }) : () -> ()
    %scan3A_49 = arith.constant 0 : i32
    %scan3A_50 = arith.constant 32 : i32
    %scan3A_51 = arith.addi %scan3A_49, %scan3A_50 : i32
    %scan3A_52 = arith.constant 1 : i32
    scf.for %scan3A_61 = %scan3A_49 to %scan3A_51 step %scan3A_52  : i32 {
      %mul3A_62 = arith.constant 16 : i32
      %mul3A_63 = arith.muli %scan3A_61, %mul3A_62 : i32
      %add3A_64 = arith.constant 512 : i32
      %add3A_65 = arith.addi %add3A_64, %mul3A_63 : i32
      %get3A = arith.index_cast %add3A_65 : i32 to index
      %get3A_66 = tpu.vector_load %arg8[%get3A] {strides = array<i32>} : memref<1024xi32, #tpu.memory_space<vmem>>, vector<16xi32>,
      %mul3A_67 = arith.constant 1024 : i32
      %mul3A_68 = vector.broadcast %mul3A_67 : i32 to vector<16xi32>
      %mul3A_69 = arith.muli %iota3A, %mul3A_68 : vector<16xi32>
      %add3A_70 = arith.addi %mul3A_69, %get3A_66 : vector<16xi32>
      tpu.vector_store_idx %arg9[%add3A_70], %broadcast_in_dim3A_37 {add = true} : memref<16384xf32, #tpu.memory_space<vmem>>[vector<16xi32>], vector<16xf32>,
      %broadcast_in_dim3A_71 = arith.constant 0 : i32
      %broadcast_in_dim3A_72 = vector.broadcast %broadcast_in_dim3A_71 : i32 to vector<16xi32>
      %gather3A = tpu.vector_load_idx %arg6[%broadcast_in_dim3A_72, %get3A_66] : memref<64x1024xf32, #tpu.memory_space<vmem>>[vector<16xi32>, vector<16xi32>], vector<16xf32>,
      %mul3A_73 = arith.constant 16 : i32
      %mul3A_74 = arith.muli %scan3A_61, %mul3A_73 : i32
      %swap3A = arith.constant 0 : i32
      %swap3A_75 = arith.index_cast %swap3A : i32 to index
      %swap3A_76 = arith.index_cast %mul3A_74 : i32 to index
      %swap3A_77 = tpu.vector_load %arg7[%swap3A_75, %swap3A_76] {strides = array<i32>} : memref<64x512xf32, #tpu.memory_space<vmem>>, vector<16xf32>,
      tpu.vector_store %arg7[%swap3A_75, %swap3A_76], %gather3A {strides = array<i32>} : memref<64x512xf32, #tpu.memory_space<vmem>>, vector<16xf32>,
      %broadcast_in_dim3A_78 = arith.constant 1 : i32
      %broadcast_in_dim3A_79 = vector.broadcast %broadcast_in_dim3A_78 : i32 to vector<16xi32>
      %gather3A_80 = tpu.vector_load_idx %arg6[%broadcast_in_dim3A_79, %get3A_66] : memref<64x1024xf32, #tpu.memory_space<vmem>>[vector<16xi32>, vector<16xi32>], vector<16xf32>,
      %mul3A_81 = arith.constant 16 : i32
      %mul3A_82 = arith.muli %scan3A_61, %mul3A_81 : i32
      %swap3A_83 = arith.constant 1 : i32
      %swap3A_84 = arith.index_cast %swap3A_83 : i32 to index
      %swap3A_85 = arith.index_cast %mul3A_82 : i32 to index
      %swap3A_86 = tpu.vector_load %arg7[%swap3A_84, %swap3A_85] {strides = array<i32>} : memref<64x512xf32, #tpu.memory_space<vmem>>, vector<16xf32>,
      tpu.vector_store %arg7[%swap3A_84, %swap3A_85], %gather3A_80 {strides = array<i32>} : memref<64x512xf32, #tpu.memory_space<vmem>>, vector<16xf32>,
      %broadcast_in_dim3A_87 = arith.constant 2 : i32
      %broadcast_in_dim3A_88 = vector.broadcast %broadcast_in_dim3A_87 : i32 to vector<16xi32>
      %gather3A_89 = tpu.vector_load_idx %arg6[%broadcast_in_dim3A_88, %get3A_66] : memref<64x1024xf32, #tpu.memory_space<vmem>>[vector<16xi32>, vector<16xi32>], vector<16xf32>,
      %mul3A_90 = arith.constant 16 : i32
      %mul3A_91 = arith.muli %scan3A_61, %mul3A_90 : i32
      %swap3A_92 = arith.constant 2 : i32
      %swap3A_93 = arith.index_cast %swap3A_92 : i32 to index
      %swap3A_94 = arith.index_cast %mul3A_91 : i32 to index
      %swap3A_95 = tpu.vector_load %arg7[%swap3A_93, %swap3A_94] {strides = array<i32>} : memref<64x512xf32, #tpu.memory_space<vmem>>, vector<16xf32>,
      tpu.vector_store %arg7[%swap3A_93, %swap3A_94], %gather3A_89 {strides = array<i32>} : memref<64x512xf32, #tpu.memory_space<vmem>>, vector<16xf32>,
      %broadcast_in_dim3A_96 = arith.constant 3 : i32
      %broadcast_in_dim3A_97 = vector.broadcast %broadcast_in_dim3A_96 : i32 to vector<16xi32>
      %gather3A_98 = tpu.vector_load_idx %arg6[%broadcast_in_dim3A_97, %get3A_66] : memref<64x1024xf32, #tpu.memory_space<vmem>>[vector<16xi32>, vector<16xi32>], vector<16xf32>,
      %mul3A_99 = arith.constant 16 : i32
      %mul3A_100 = arith.muli %scan3A_61, %mul3A_99 : i32
      %swap3A_101 = arith.constant 3 : i32
      %swap3A_102 = arith.index_cast %swap3A_101 : i32 to index
      %swap3A_103 = arith.index_cast %mul3A_100 : i32 to index
      %swap3A_104 = tpu.vector_load %arg7[%swap3A_102, %swap3A_103] {strides = array<i32>} : memref<64x512xf32, #tpu.memory_space<vmem>>, vector<16xf32>,
      tpu.vector_store %arg7[%swap3A_102, %swap3A_103], %gather3A_98 {strides = array<i32>} : memref<64x512xf32, #tpu.memory_space<vmem>>, vector<16xf32>,
      %broadcast_in_dim3A_105 = arith.constant 4 : i32
      %broadcast_in_dim3A_106 = vector.broadcast %broadcast_in_dim3A_105 : i32 to vector<16xi32>
      %gather3A_107 = tpu.vector_load_idx %arg6[%broadcast_in_dim3A_106, %get3A_66] : memref<64x1024xf32, #tpu.memory_space<vmem>>[vector<16xi32>, vector<16xi32>], vector<16xf32>,
      %mul3A_108 = arith.constant 16 : i32
      %mul3A_109 = arith.muli %scan3A_61, %mul3A_108 : i32
      %swap3A_110 = arith.constant 4 : i32
      %swap3A_111 = arith.index_cast %swap3A_110 : i32 to index
      %swap3A_112 = arith.index_cast %mul3A_109 : i32 to index
      %swap3A_113 = tpu.vector_load %arg7[%swap3A_111, %swap3A_112] {strides = array<i32>} : memref<64x512xf32, #tpu.memory_space<vmem>>, vector<16xf32>,
      tpu.vector_store %arg7[%swap3A_111, %swap3A_112], %gather3A_107 {strides = array<i32>} : memref<64x512xf32, #tpu.memory_space<vmem>>, vector<16xf32>,
      %broadcast_in_dim3A_114 = arith.constant 5 : i32
      %broadcast_in_dim3A_115 = vector.broadcast %broadcast_in_dim3A_114 : i32 to vector<16xi32>
      %gather3A_116 = tpu.vector_load_idx %arg6[%broadcast_in_dim3A_115, %get3A_66] : memref<64x1024xf32, #tpu.memory_space<vmem>>[vector<16xi32>, vector<16xi32>], vector<16xf32>,
      %mul3A_117 = arith.constant 16 : i32
      %mul3A_118 = arith.muli %scan3A_61, %mul3A_117 : i32
      %swap3A_119 = arith.constant 5 : i32
      %swap3A_120 = arith.index_cast %swap3A_119 : i32 to index
      %swap3A_121 = arith.index_cast %mul3A_118 : i32 to index
      %swap3A_122 = tpu.vector_load %arg7[%swap3A_120, %swap3A_121] {strides = array<i32>} : memref<64x512xf32, #tpu.memory_space<vmem>>, vector<16xf32>,
      tpu.vector_store %arg7[%swap3A_120, %swap3A_121], %gather3A_116 {strides = array<i32>} : memref<64x512xf32, #tpu.memory_space<vmem>>, vector<16xf32>,
      %broadcast_in_dim3A_123 = arith.constant 6 : i32
      %broadcast_in_dim3A_124 = vector.broadcast %broadcast_in_dim3A_123 : i32 to vector<16xi32>
      %gather3A_125 = tpu.vector_load_idx %arg6[%broadcast_in_dim3A_124, %get3A_66] : memref<64x1024xf32, #tpu.memory_space<vmem>>[vector<16xi32>, vector<16xi32>], vector<16xf32>,
      %mul3A_126 = arith.constant 16 : i32
      %mul3A_127 = arith.muli %scan3A_61, %mul3A_126 : i32
      %swap3A_128 = arith.constant 6 : i32
      %swap3A_129 = arith.index_cast %swap3A_128 : i32 to index
      %swap3A_130 = arith.index_cast %mul3A_127 : i32 to index
      %swap3A_131 = tpu.vector_load %arg7[%swap3A_129, %swap3A_130] {strides = array<i32>} : memref<64x512xf32, #tpu.memory_space<vmem>>, vector<16xf32>,
      tpu.vector_store %arg7[%swap3A_129, %swap3A_130], %gather3A_125 {strides = array<i32>} : memref<64x512xf32, #tpu.memory_space<vmem>>, vector<16xf32>,
      %broadcast_in_dim3A_132 = arith.constant 7 : i32
      %broadcast_in_dim3A_133 = vector.broadcast %broadcast_in_dim3A_132 : i32 to vector<16xi32>
      %gather3A_134 = tpu.vector_load_idx %arg6[%broadcast_in_dim3A_133, %get3A_66] : memref<64x1024xf32, #tpu.memory_space<vmem>>[vector<16xi32>, vector<16xi32>], vector<16xf32>,
      %mul3A_135 = arith.constant 16 : i32
      %mul3A_136 = arith.muli %scan3A_61, %mul3A_135 : i32
      %swap3A_137 = arith.constant 7 : i32
      %swap3A_138 = arith.index_cast %swap3A_137 : i32 to index
      %swap3A_139 = arith.index_cast %mul3A_136 : i32 to index
      %swap3A_140 = tpu.vector_load %arg7[%swap3A_138, %swap3A_139] {strides = array<i32>} : memref<64x512xf32, #tpu.memory_space<vmem>>, vector<16xf32>,
      tpu.vector_store %arg7[%swap3A_138, %swap3A_139], %gather3A_134 {strides = array<i32>} : memref<64x512xf32, #tpu.memory_space<vmem>>, vector<16xf32>,
      %broadcast_in_dim3A_141 = arith.constant 8 : i32
      %broadcast_in_dim3A_142 = vector.broadcast %broadcast_in_dim3A_141 : i32 to vector<16xi32>
      %gather3A_143 = tpu.vector_load_idx %arg6[%broadcast_in_dim3A_142, %get3A_66] : memref<64x1024xf32, #tpu.memory_space<vmem>>[vector<16xi32>, vector<16xi32>], vector<16xf32>,
      %mul3A_144 = arith.constant 16 : i32
      %mul3A_145 = arith.muli %scan3A_61, %mul3A_144 : i32
      %swap3A_146 = arith.constant 8 : i32
      %swap3A_147 = arith.index_cast %swap3A_146 : i32 to index
      %swap3A_148 = arith.index_cast %mul3A_145 : i32 to index
      %swap3A_149 = tpu.vector_load %arg7[%swap3A_147, %swap3A_148] {strides = array<i32>} : memref<64x512xf32, #tpu.memory_space<vmem>>, vector<16xf32>,
      tpu.vector_store %arg7[%swap3A_147, %swap3A_148], %gather3A_143 {strides = array<i32>} : memref<64x512xf32, #tpu.memory_space<vmem>>, vector<16xf32>,
      %broadcast_in_dim3A_150 = arith.constant 9 : i32
      %broadcast_in_dim3A_151 = vector.broadcast %broadcast_in_dim3A_150 : i32 to vector<16xi32>
      %gather3A_152 = tpu.vector_load_idx %arg6[%broadcast_in_dim3A_151, %get3A_66] : memref<64x1024xf32, #tpu.memory_space<vmem>>[vector<16xi32>, vector<16xi32>], vector<16xf32>,
      %mul3A_153 = arith.constant 16 : i32
      %mul3A_154 = arith.muli %scan3A_61, %mul3A_153 : i32
      %swap3A_155 = arith.constant 9 : i32
      %swap3A_156 = arith.index_cast %swap3A_155 : i32 to index
      %swap3A_157 = arith.index_cast %mul3A_154 : i32 to index
      %swap3A_158 = tpu.vector_load %arg7[%swap3A_156, %swap3A_157] {strides = array<i32>} : memref<64x512xf32, #tpu.memory_space<vmem>>, vector<16xf32>,
      tpu.vector_store %arg7[%swap3A_156, %swap3A_157], %gather3A_152 {strides = array<i32>} : memref<64x512xf32, #tpu.memory_space<vmem>>, vector<16xf32>,
      %broadcast_in_dim3A_159 = arith.constant 10 : i32
      %broadcast_in_dim3A_160 = vector.broadcast %broadcast_in_dim3A_159 : i32 to vector<16xi32>
      %gather3A_161 = tpu.vector_load_idx %arg6[%broadcast_in_dim3A_160, %get3A_66] : memref<64x1024xf32, #tpu.memory_space<vmem>>[vector<16xi32>, vector<16xi32>], vector<16xf32>,
      %mul3A_162 = arith.constant 16 : i32
      %mul3A_163 = arith.muli %scan3A_61, %mul3A_162 : i32
      %swap3A_164 = arith.constant 10 : i32
      %swap3A_165 = arith.index_cast %swap3A_164 : i32 to index
      %swap3A_166 = arith.index_cast %mul3A_163 : i32 to index
      %swap3A_167 = tpu.vector_load %arg7[%swap3A_165, %swap3A_166] {strides = array<i32>} : memref<64x512xf32, #tpu.memory_space<vmem>>, vector<16xf32>,
      tpu.vector_store %arg7[%swap3A_165, %swap3A_166], %gather3A_161 {strides = array<i32>} : memref<64x512xf32, #tpu.memory_space<vmem>>, vector<16xf32>,
      %broadcast_in_dim3A_168 = arith.constant 11 : i32
      %broadcast_in_dim3A_169 = vector.broadcast %broadcast_in_dim3A_168 : i32 to vector<16xi32>
      %gather3A_170 = tpu.vector_load_idx %arg6[%broadcast_in_dim3A_169, %get3A_66] : memref<64x1024xf32, #tpu.memory_space<vmem>>[vector<16xi32>, vector<16xi32>], vector<16xf32>,
      %mul3A_171 = arith.constant 16 : i32
      %mul3A_172 = arith.muli %scan3A_61, %mul3A_171 : i32
      %swap3A_173 = arith.constant 11 : i32
      %swap3A_174 = arith.index_cast %swap3A_173 : i32 to index
      %swap3A_175 = arith.index_cast %mul3A_172 : i32 to index
      %swap3A_176 = tpu.vector_load %arg7[%swap3A_174, %swap3A_175] {strides = array<i32>} : memref<64x512xf32, #tpu.memory_space<vmem>>, vector<16xf32>,
      tpu.vector_store %arg7[%swap3A_174, %swap3A_175], %gather3A_170 {strides = array<i32>} : memref<64x512xf32, #tpu.memory_space<vmem>>, vector<16xf32>,
      %broadcast_in_dim3A_177 = arith.constant 12 : i32
      %broadcast_in_dim3A_178 = vector.broadcast %broadcast_in_dim3A_177 : i32 to vector<16xi32>
      %gather3A_179 = tpu.vector_load_idx %arg6[%broadcast_in_dim3A_178, %get3A_66] : memref<64x1024xf32, #tpu.memory_space<vmem>>[vector<16xi32>, vector<16xi32>], vector<16xf32>,
      %mul3A_180 = arith.constant 16 : i32
      %mul3A_181 = arith.muli %scan3A_61, %mul3A_180 : i32
      %swap3A_182 = arith.constant 12 : i32
      %swap3A_183 = arith.index_cast %swap3A_182 : i32 to index
      %swap3A_184 = arith.index_cast %mul3A_181 : i32 to index
      %swap3A_185 = tpu.vector_load %arg7[%swap3A_183, %swap3A_184] {strides = array<i32>} : memref<64x512xf32, #tpu.memory_space<vmem>>, vector<16xf32>,
      tpu.vector_store %arg7[%swap3A_183, %swap3A_184], %gather3A_179 {strides = array<i32>} : memref<64x512xf32, #tpu.memory_space<vmem>>, vector<16xf32>,
      %broadcast_in_dim3A_186 = arith.constant 13 : i32
      %broadcast_in_dim3A_187 = vector.broadcast %broadcast_in_dim3A_186 : i32 to vector<16xi32>
      %gather3A_188 = tpu.vector_load_idx %arg6[%broadcast_in_dim3A_187, %get3A_66] : memref<64x1024xf32, #tpu.memory_space<vmem>>[vector<16xi32>, vector<16xi32>], vector<16xf32>,
      %mul3A_189 = arith.constant 16 : i32
      %mul3A_190 = arith.muli %scan3A_61, %mul3A_189 : i32
      %swap3A_191 = arith.constant 13 : i32
      %swap3A_192 = arith.index_cast %swap3A_191 : i32 to index
      %swap3A_193 = arith.index_cast %mul3A_190 : i32 to index
      %swap3A_194 = tpu.vector_load %arg7[%swap3A_192, %swap3A_193] {strides = array<i32>} : memref<64x512xf32, #tpu.memory_space<vmem>>, vector<16xf32>,
      tpu.vector_store %arg7[%swap3A_192, %swap3A_193], %gather3A_188 {strides = array<i32>} : memref<64x512xf32, #tpu.memory_space<vmem>>, vector<16xf32>,
      %broadcast_in_dim3A_195 = arith.constant 14 : i32
      %broadcast_in_dim3A_196 = vector.broadcast %broadcast_in_dim3A_195 : i32 to vector<16xi32>
      %gather3A_197 = tpu.vector_load_idx %arg6[%broadcast_in_dim3A_196, %get3A_66] : memref<64x1024xf32, #tpu.memory_space<vmem>>[vector<16xi32>, vector<16xi32>], vector<16xf32>,
      %mul3A_198 = arith.constant 16 : i32
      %mul3A_199 = arith.muli %scan3A_61, %mul3A_198 : i32
      %swap3A_200 = arith.constant 14 : i32
      %swap3A_201 = arith.index_cast %swap3A_200 : i32 to index
      %swap3A_202 = arith.index_cast %mul3A_199 : i32 to index
      %swap3A_203 = tpu.vector_load %arg7[%swap3A_201, %swap3A_202] {strides = array<i32>} : memref<64x512xf32, #tpu.memory_space<vmem>>, vector<16xf32>,
      tpu.vector_store %arg7[%swap3A_201, %swap3A_202], %gather3A_197 {strides = array<i32>} : memref<64x512xf32, #tpu.memory_space<vmem>>, vector<16xf32>,
      %broadcast_in_dim3A_204 = arith.constant 15 : i32
      %broadcast_in_dim3A_205 = vector.broadcast %broadcast_in_dim3A_204 : i32 to vector<16xi32>
      %gather3A_206 = tpu.vector_load_idx %arg6[%broadcast_in_dim3A_205, %get3A_66] : memref<64x1024xf32, #tpu.memory_space<vmem>>[vector<16xi32>, vector<16xi32>], vector<16xf32>,
      %mul3A_207 = arith.constant 16 : i32
      %mul3A_208 = arith.muli %scan3A_61, %mul3A_207 : i32
      %swap3A_209 = arith.constant 15 : i32
      %swap3A_210 = arith.index_cast %swap3A_209 : i32 to index
      %swap3A_211 = arith.index_cast %mul3A_208 : i32 to index
      %swap3A_212 = tpu.vector_load %arg7[%swap3A_210, %swap3A_211] {strides = array<i32>} : memref<64x512xf32, #tpu.memory_space<vmem>>, vector<16xf32>,
      tpu.vector_store %arg7[%swap3A_210, %swap3A_211], %gather3A_206 {strides = array<i32>} : memref<64x512xf32, #tpu.memory_space<vmem>>, vector<16xf32>,
      %broadcast_in_dim3A_213 = arith.constant 16 : i32
      %broadcast_in_dim3A_214 = vector.broadcast %broadcast_in_dim3A_213 : i32 to vector<16xi32>
      %gather3A_215 = tpu.vector_load_idx %arg6[%broadcast_in_dim3A_214, %get3A_66] : memref<64x1024xf32, #tpu.memory_space<vmem>>[vector<16xi32>, vector<16xi32>], vector<16xf32>,
      %mul3A_216 = arith.constant 16 : i32
      %mul3A_217 = arith.muli %scan3A_61, %mul3A_216 : i32
      %swap3A_218 = arith.constant 16 : i32
      %swap3A_219 = arith.index_cast %swap3A_218 : i32 to index
      %swap3A_220 = arith.index_cast %mul3A_217 : i32 to index
      %swap3A_221 = tpu.vector_load %arg7[%swap3A_219, %swap3A_220] {strides = array<i32>} : memref<64x512xf32, #tpu.memory_space<vmem>>, vector<16xf32>,
      tpu.vector_store %arg7[%swap3A_219, %swap3A_220], %gather3A_215 {strides = array<i32>} : memref<64x512xf32, #tpu.memory_space<vmem>>, vector<16xf32>,
      %broadcast_in_dim3A_222 = arith.constant 17 : i32
      %broadcast_in_dim3A_223 = vector.broadcast %broadcast_in_dim3A_222 : i32 to vector<16xi32>
      %gather3A_224 = tpu.vector_load_idx %arg6[%broadcast_in_dim3A_223, %get3A_66] : memref<64x1024xf32, #tpu.memory_space<vmem>>[vector<16xi32>, vector<16xi32>], vector<16xf32>,
      %mul3A_225 = arith.constant 16 : i32
      %mul3A_226 = arith.muli %scan3A_61, %mul3A_225 : i32
      %swap3A_227 = arith.constant 17 : i32
      %swap3A_228 = arith.index_cast %swap3A_227 : i32 to index
      %swap3A_229 = arith.index_cast %mul3A_226 : i32 to index
      %swap3A_230 = tpu.vector_load %arg7[%swap3A_228, %swap3A_229] {strides = array<i32>} : memref<64x512xf32, #tpu.memory_space<vmem>>, vector<16xf32>,
      tpu.vector_store %arg7[%swap3A_228, %swap3A_229], %gather3A_224 {strides = array<i32>} : memref<64x512xf32, #tpu.memory_space<vmem>>, vector<16xf32>,
      %broadcast_in_dim3A_231 = arith.constant 18 : i32
      %broadcast_in_dim3A_232 = vector.broadcast %broadcast_in_dim3A_231 : i32 to vector<16xi32>
      %gather3A_233 = tpu.vector_load_idx %arg6[%broadcast_in_dim3A_232, %get3A_66] : memref<64x1024xf32, #tpu.memory_space<vmem>>[vector<16xi32>, vector<16xi32>], vector<16xf32>,
      %mul3A_234 = arith.constant 16 : i32
      %mul3A_235 = arith.muli %scan3A_61, %mul3A_234 : i32
      %swap3A_236 = arith.constant 18 : i32
      %swap3A_237 = arith.index_cast %swap3A_236 : i32 to index
      %swap3A_238 = arith.index_cast %mul3A_235 : i32 to index
      %swap3A_239 = tpu.vector_load %arg7[%swap3A_237, %swap3A_238] {strides = array<i32>} : memref<64x512xf32, #tpu.memory_space<vmem>>, vector<16xf32>,
      tpu.vector_store %arg7[%swap3A_237, %swap3A_238], %gather3A_233 {strides = array<i32>} : memref<64x512xf32, #tpu.memory_space<vmem>>, vector<16xf32>,
      %broadcast_in_dim3A_240 = arith.constant 19 : i32
      %broadcast_in_dim3A_241 = vector.broadcast %broadcast_in_dim3A_240 : i32 to vector<16xi32>
      %gather3A_242 = tpu.vector_load_idx %arg6[%broadcast_in_dim3A_241, %get3A_66] : memref<64x1024xf32, #tpu.memory_space<vmem>>[vector<16xi32>, vector<16xi32>], vector<16xf32>,
      %mul3A_243 = arith.constant 16 : i32
      %mul3A_244 = arith.muli %scan3A_61, %mul3A_243 : i32
      %swap3A_245 = arith.constant 19 : i32
      %swap3A_246 = arith.index_cast %swap3A_245 : i32 to index
      %swap3A_247 = arith.index_cast %mul3A_244 : i32 to index
      %swap3A_248 = tpu.vector_load %arg7[%swap3A_246, %swap3A_247] {strides = array<i32>} : memref<64x512xf32, #tpu.memory_space<vmem>>, vector<16xf32>,
      tpu.vector_store %arg7[%swap3A_246, %swap3A_247], %gather3A_242 {strides = array<i32>} : memref<64x512xf32, #tpu.memory_space<vmem>>, vector<16xf32>,
      %broadcast_in_dim3A_249 = arith.constant 20 : i32
      %broadcast_in_dim3A_250 = vector.broadcast %broadcast_in_dim3A_249 : i32 to vector<16xi32>
      %gather3A_251 = tpu.vector_load_idx %arg6[%broadcast_in_dim3A_250, %get3A_66] : memref<64x1024xf32, #tpu.memory_space<vmem>>[vector<16xi32>, vector<16xi32>], vector<16xf32>,
      %mul3A_252 = arith.constant 16 : i32
      %mul3A_253 = arith.muli %scan3A_61, %mul3A_252 : i32
      %swap3A_254 = arith.constant 20 : i32
      %swap3A_255 = arith.index_cast %swap3A_254 : i32 to index
      %swap3A_256 = arith.index_cast %mul3A_253 : i32 to index
      %swap3A_257 = tpu.vector_load %arg7[%swap3A_255, %swap3A_256] {strides = array<i32>} : memref<64x512xf32, #tpu.memory_space<vmem>>, vector<16xf32>,
      tpu.vector_store %arg7[%swap3A_255, %swap3A_256], %gather3A_251 {strides = array<i32>} : memref<64x512xf32, #tpu.memory_space<vmem>>, vector<16xf32>,
      %broadcast_in_dim3A_258 = arith.constant 21 : i32
      %broadcast_in_dim3A_259 = vector.broadcast %broadcast_in_dim3A_258 : i32 to vector<16xi32>
      %gather3A_260 = tpu.vector_load_idx %arg6[%broadcast_in_dim3A_259, %get3A_66] : memref<64x1024xf32, #tpu.memory_space<vmem>>[vector<16xi32>, vector<16xi32>], vector<16xf32>,
      %mul3A_261 = arith.constant 16 : i32
      %mul3A_262 = arith.muli %scan3A_61, %mul3A_261 : i32
      %swap3A_263 = arith.constant 21 : i32
      %swap3A_264 = arith.index_cast %swap3A_263 : i32 to index
      %swap3A_265 = arith.index_cast %mul3A_262 : i32 to index
      %swap3A_266 = tpu.vector_load %arg7[%swap3A_264, %swap3A_265] {strides = array<i32>} : memref<64x512xf32, #tpu.memory_space<vmem>>, vector<16xf32>,
      tpu.vector_store %arg7[%swap3A_264, %swap3A_265], %gather3A_260 {strides = array<i32>} : memref<64x512xf32, #tpu.memory_space<vmem>>, vector<16xf32>,
      %broadcast_in_dim3A_267 = arith.constant 22 : i32
      %broadcast_in_dim3A_268 = vector.broadcast %broadcast_in_dim3A_267 : i32 to vector<16xi32>
      %gather3A_269 = tpu.vector_load_idx %arg6[%broadcast_in_dim3A_268, %get3A_66] : memref<64x1024xf32, #tpu.memory_space<vmem>>[vector<16xi32>, vector<16xi32>], vector<16xf32>,
      %mul3A_270 = arith.constant 16 : i32
      %mul3A_271 = arith.muli %scan3A_61, %mul3A_270 : i32
      %swap3A_272 = arith.constant 22 : i32
      %swap3A_273 = arith.index_cast %swap3A_272 : i32 to index
      %swap3A_274 = arith.index_cast %mul3A_271 : i32 to index
      %swap3A_275 = tpu.vector_load %arg7[%swap3A_273, %swap3A_274] {strides = array<i32>} : memref<64x512xf32, #tpu.memory_space<vmem>>, vector<16xf32>,
      tpu.vector_store %arg7[%swap3A_273, %swap3A_274], %gather3A_269 {strides = array<i32>} : memref<64x512xf32, #tpu.memory_space<vmem>>, vector<16xf32>,
      %broadcast_in_dim3A_276 = arith.constant 23 : i32
      %broadcast_in_dim3A_277 = vector.broadcast %broadcast_in_dim3A_276 : i32 to vector<16xi32>
      %gather3A_278 = tpu.vector_load_idx %arg6[%broadcast_in_dim3A_277, %get3A_66] : memref<64x1024xf32, #tpu.memory_space<vmem>>[vector<16xi32>, vector<16xi32>], vector<16xf32>,
      %mul3A_279 = arith.constant 16 : i32
      %mul3A_280 = arith.muli %scan3A_61, %mul3A_279 : i32
      %swap3A_281 = arith.constant 23 : i32
      %swap3A_282 = arith.index_cast %swap3A_281 : i32 to index
      %swap3A_283 = arith.index_cast %mul3A_280 : i32 to index
      %swap3A_284 = tpu.vector_load %arg7[%swap3A_282, %swap3A_283] {strides = array<i32>} : memref<64x512xf32, #tpu.memory_space<vmem>>, vector<16xf32>,
      tpu.vector_store %arg7[%swap3A_282, %swap3A_283], %gather3A_278 {strides = array<i32>} : memref<64x512xf32, #tpu.memory_space<vmem>>, vector<16xf32>,
      %broadcast_in_dim3A_285 = arith.constant 24 : i32
      %broadcast_in_dim3A_286 = vector.broadcast %broadcast_in_dim3A_285 : i32 to vector<16xi32>
      %gather3A_287 = tpu.vector_load_idx %arg6[%broadcast_in_dim3A_286, %get3A_66] : memref<64x1024xf32, #tpu.memory_space<vmem>>[vector<16xi32>, vector<16xi32>], vector<16xf32>,
      %mul3A_288 = arith.constant 16 : i32
      %mul3A_289 = arith.muli %scan3A_61, %mul3A_288 : i32
      %swap3A_290 = arith.constant 24 : i32
      %swap3A_291 = arith.index_cast %swap3A_290 : i32 to index
      %swap3A_292 = arith.index_cast %mul3A_289 : i32 to index
      %swap3A_293 = tpu.vector_load %arg7[%swap3A_291, %swap3A_292] {strides = array<i32>} : memref<64x512xf32, #tpu.memory_space<vmem>>, vector<16xf32>,
      tpu.vector_store %arg7[%swap3A_291, %swap3A_292], %gather3A_287 {strides = array<i32>} : memref<64x512xf32, #tpu.memory_space<vmem>>, vector<16xf32>,
      %broadcast_in_dim3A_294 = arith.constant 25 : i32
      %broadcast_in_dim3A_295 = vector.broadcast %broadcast_in_dim3A_294 : i32 to vector<16xi32>
      %gather3A_296 = tpu.vector_load_idx %arg6[%broadcast_in_dim3A_295, %get3A_66] : memref<64x1024xf32, #tpu.memory_space<vmem>>[vector<16xi32>, vector<16xi32>], vector<16xf32>,
      %mul3A_297 = arith.constant 16 : i32
      %mul3A_298 = arith.muli %scan3A_61, %mul3A_297 : i32
      %swap3A_299 = arith.constant 25 : i32
      %swap3A_300 = arith.index_cast %swap3A_299 : i32 to index
      %swap3A_301 = arith.index_cast %mul3A_298 : i32 to index
      %swap3A_302 = tpu.vector_load %arg7[%swap3A_300, %swap3A_301] {strides = array<i32>} : memref<64x512xf32, #tpu.memory_space<vmem>>, vector<16xf32>,
      tpu.vector_store %arg7[%swap3A_300, %swap3A_301], %gather3A_296 {strides = array<i32>} : memref<64x512xf32, #tpu.memory_space<vmem>>, vector<16xf32>,
      %broadcast_in_dim3A_303 = arith.constant 26 : i32
      %broadcast_in_dim3A_304 = vector.broadcast %broadcast_in_dim3A_303 : i32 to vector<16xi32>
      %gather3A_305 = tpu.vector_load_idx %arg6[%broadcast_in_dim3A_304, %get3A_66] : memref<64x1024xf32, #tpu.memory_space<vmem>>[vector<16xi32>, vector<16xi32>], vector<16xf32>,
      %mul3A_306 = arith.constant 16 : i32
      %mul3A_307 = arith.muli %scan3A_61, %mul3A_306 : i32
      %swap3A_308 = arith.constant 26 : i32
      %swap3A_309 = arith.index_cast %swap3A_308 : i32 to index
      %swap3A_310 = arith.index_cast %mul3A_307 : i32 to index
      %swap3A_311 = tpu.vector_load %arg7[%swap3A_309, %swap3A_310] {strides = array<i32>} : memref<64x512xf32, #tpu.memory_space<vmem>>, vector<16xf32>,
      tpu.vector_store %arg7[%swap3A_309, %swap3A_310], %gather3A_305 {strides = array<i32>} : memref<64x512xf32, #tpu.memory_space<vmem>>, vector<16xf32>,
      %broadcast_in_dim3A_312 = arith.constant 27 : i32
      %broadcast_in_dim3A_313 = vector.broadcast %broadcast_in_dim3A_312 : i32 to vector<16xi32>
      %gather3A_314 = tpu.vector_load_idx %arg6[%broadcast_in_dim3A_313, %get3A_66] : memref<64x1024xf32, #tpu.memory_space<vmem>>[vector<16xi32>, vector<16xi32>], vector<16xf32>,
      %mul3A_315 = arith.constant 16 : i32
      %mul3A_316 = arith.muli %scan3A_61, %mul3A_315 : i32
      %swap3A_317 = arith.constant 27 : i32
      %swap3A_318 = arith.index_cast %swap3A_317 : i32 to index
      %swap3A_319 = arith.index_cast %mul3A_316 : i32 to index
      %swap3A_320 = tpu.vector_load %arg7[%swap3A_318, %swap3A_319] {strides = array<i32>} : memref<64x512xf32, #tpu.memory_space<vmem>>, vector<16xf32>,
      tpu.vector_store %arg7[%swap3A_318, %swap3A_319], %gather3A_314 {strides = array<i32>} : memref<64x512xf32, #tpu.memory_space<vmem>>, vector<16xf32>,
      %broadcast_in_dim3A_321 = arith.constant 28 : i32
      %broadcast_in_dim3A_322 = vector.broadcast %broadcast_in_dim3A_321 : i32 to vector<16xi32>
      %gather3A_323 = tpu.vector_load_idx %arg6[%broadcast_in_dim3A_322, %get3A_66] : memref<64x1024xf32, #tpu.memory_space<vmem>>[vector<16xi32>, vector<16xi32>], vector<16xf32>,
      %mul3A_324 = arith.constant 16 : i32
      %mul3A_325 = arith.muli %scan3A_61, %mul3A_324 : i32
      %swap3A_326 = arith.constant 28 : i32
      %swap3A_327 = arith.index_cast %swap3A_326 : i32 to index
      %swap3A_328 = arith.index_cast %mul3A_325 : i32 to index
      %swap3A_329 = tpu.vector_load %arg7[%swap3A_327, %swap3A_328] {strides = array<i32>} : memref<64x512xf32, #tpu.memory_space<vmem>>, vector<16xf32>,
      tpu.vector_store %arg7[%swap3A_327, %swap3A_328], %gather3A_323 {strides = array<i32>} : memref<64x512xf32, #tpu.memory_space<vmem>>, vector<16xf32>,
      %broadcast_in_dim3A_330 = arith.constant 29 : i32
      %broadcast_in_dim3A_331 = vector.broadcast %broadcast_in_dim3A_330 : i32 to vector<16xi32>
      %gather3A_332 = tpu.vector_load_idx %arg6[%broadcast_in_dim3A_331, %get3A_66] : memref<64x1024xf32, #tpu.memory_space<vmem>>[vector<16xi32>, vector<16xi32>], vector<16xf32>,
      %mul3A_333 = arith.constant 16 : i32
      %mul3A_334 = arith.muli %scan3A_61, %mul3A_333 : i32
      %swap3A_335 = arith.constant 29 : i32
      %swap3A_336 = arith.index_cast %swap3A_335 : i32 to index
      %swap3A_337 = arith.index_cast %mul3A_334 : i32 to index
      %swap3A_338 = tpu.vector_load %arg7[%swap3A_336, %swap3A_337] {strides = array<i32>} : memref<64x512xf32, #tpu.memory_space<vmem>>, vector<16xf32>,
      tpu.vector_store %arg7[%swap3A_336, %swap3A_337], %gather3A_332 {strides = array<i32>} : memref<64x512xf32, #tpu.memory_space<vmem>>, vector<16xf32>,
      %broadcast_in_dim3A_339 = arith.constant 30 : i32
      %broadcast_in_dim3A_340 = vector.broadcast %broadcast_in_dim3A_339 : i32 to vector<16xi32>
      %gather3A_341 = tpu.vector_load_idx %arg6[%broadcast_in_dim3A_340, %get3A_66] : memref<64x1024xf32, #tpu.memory_space<vmem>>[vector<16xi32>, vector<16xi32>], vector<16xf32>,
      %mul3A_342 = arith.constant 16 : i32
      %mul3A_343 = arith.muli %scan3A_61, %mul3A_342 : i32
      %swap3A_344 = arith.constant 30 : i32
      %swap3A_345 = arith.index_cast %swap3A_344 : i32 to index
      %swap3A_346 = arith.index_cast %mul3A_343 : i32 to index
      %swap3A_347 = tpu.vector_load %arg7[%swap3A_345, %swap3A_346] {strides = array<i32>} : memref<64x512xf32, #tpu.memory_space<vmem>>, vector<16xf32>,
      tpu.vector_store %arg7[%swap3A_345, %swap3A_346], %gather3A_341 {strides = array<i32>} : memref<64x512xf32, #tpu.memory_space<vmem>>, vector<16xf32>,
      %broadcast_in_dim3A_348 = arith.constant 31 : i32
      %broadcast_in_dim3A_349 = vector.broadcast %broadcast_in_dim3A_348 : i32 to vector<16xi32>
      %gather3A_350 = tpu.vector_load_idx %arg6[%broadcast_in_dim3A_349, %get3A_66] : memref<64x1024xf32, #tpu.memory_space<vmem>>[vector<16xi32>, vector<16xi32>], vector<16xf32>,
      %mul3A_351 = arith.constant 16 : i32
      %mul3A_352 = arith.muli %scan3A_61, %mul3A_351 : i32
      %swap3A_353 = arith.constant 31 : i32
      %swap3A_354 = arith.index_cast %swap3A_353 : i32 to index
      %swap3A_355 = arith.index_cast %mul3A_352 : i32 to index
      %swap3A_356 = tpu.vector_load %arg7[%swap3A_354, %swap3A_355] {strides = array<i32>} : memref<64x512xf32, #tpu.memory_space<vmem>>, vector<16xf32>,
      tpu.vector_store %arg7[%swap3A_354, %swap3A_355], %gather3A_350 {strides = array<i32>} : memref<64x512xf32, #tpu.memory_space<vmem>>, vector<16xf32>,
      %broadcast_in_dim3A_357 = arith.constant 32 : i32
      %broadcast_in_dim3A_358 = vector.broadcast %broadcast_in_dim3A_357 : i32 to vector<16xi32>
      %gather3A_359 = tpu.vector_load_idx %arg6[%broadcast_in_dim3A_358, %get3A_66] : memref<64x1024xf32, #tpu.memory_space<vmem>>[vector<16xi32>, vector<16xi32>], vector<16xf32>,
      %mul3A_360 = arith.constant 16 : i32
      %mul3A_361 = arith.muli %scan3A_61, %mul3A_360 : i32
      %swap3A_362 = arith.constant 32 : i32
      %swap3A_363 = arith.index_cast %swap3A_362 : i32 to index
      %swap3A_364 = arith.index_cast %mul3A_361 : i32 to index
      %swap3A_365 = tpu.vector_load %arg7[%swap3A_363, %swap3A_364] {strides = array<i32>} : memref<64x512xf32, #tpu.memory_space<vmem>>, vector<16xf32>,
      tpu.vector_store %arg7[%swap3A_363, %swap3A_364], %gather3A_359 {strides = array<i32>} : memref<64x512xf32, #tpu.memory_space<vmem>>, vector<16xf32>,
      %broadcast_in_dim3A_366 = arith.constant 33 : i32
      %broadcast_in_dim3A_367 = vector.broadcast %broadcast_in_dim3A_366 : i32 to vector<16xi32>
      %gather3A_368 = tpu.vector_load_idx %arg6[%broadcast_in_dim3A_367, %get3A_66] : memref<64x1024xf32, #tpu.memory_space<vmem>>[vector<16xi32>, vector<16xi32>], vector<16xf32>,
      %mul3A_369 = arith.constant 16 : i32
      %mul3A_370 = arith.muli %scan3A_61, %mul3A_369 : i32
      %swap3A_371 = arith.constant 33 : i32
      %swap3A_372 = arith.index_cast %swap3A_371 : i32 to index
      %swap3A_373 = arith.index_cast %mul3A_370 : i32 to index
      %swap3A_374 = tpu.vector_load %arg7[%swap3A_372, %swap3A_373] {strides = array<i32>} : memref<64x512xf32, #tpu.memory_space<vmem>>, vector<16xf32>,
      tpu.vector_store %arg7[%swap3A_372, %swap3A_373], %gather3A_368 {strides = array<i32>} : memref<64x512xf32, #tpu.memory_space<vmem>>, vector<16xf32>,
      %broadcast_in_dim3A_375 = arith.constant 34 : i32
      %broadcast_in_dim3A_376 = vector.broadcast %broadcast_in_dim3A_375 : i32 to vector<16xi32>
      %gather3A_377 = tpu.vector_load_idx %arg6[%broadcast_in_dim3A_376, %get3A_66] : memref<64x1024xf32, #tpu.memory_space<vmem>>[vector<16xi32>, vector<16xi32>], vector<16xf32>,
      %mul3A_378 = arith.constant 16 : i32
      %mul3A_379 = arith.muli %scan3A_61, %mul3A_378 : i32
      %swap3A_380 = arith.constant 34 : i32
      %swap3A_381 = arith.index_cast %swap3A_380 : i32 to index
      %swap3A_382 = arith.index_cast %mul3A_379 : i32 to index
      %swap3A_383 = tpu.vector_load %arg7[%swap3A_381, %swap3A_382] {strides = array<i32>} : memref<64x512xf32, #tpu.memory_space<vmem>>, vector<16xf32>,
      tpu.vector_store %arg7[%swap3A_381, %swap3A_382], %gather3A_377 {strides = array<i32>} : memref<64x512xf32, #tpu.memory_space<vmem>>, vector<16xf32>,
      %broadcast_in_dim3A_384 = arith.constant 35 : i32
      %broadcast_in_dim3A_385 = vector.broadcast %broadcast_in_dim3A_384 : i32 to vector<16xi32>
      %gather3A_386 = tpu.vector_load_idx %arg6[%broadcast_in_dim3A_385, %get3A_66] : memref<64x1024xf32, #tpu.memory_space<vmem>>[vector<16xi32>, vector<16xi32>], vector<16xf32>,
      %mul3A_387 = arith.constant 16 : i32
      %mul3A_388 = arith.muli %scan3A_61, %mul3A_387 : i32
      %swap3A_389 = arith.constant 35 : i32
      %swap3A_390 = arith.index_cast %swap3A_389 : i32 to index
      %swap3A_391 = arith.index_cast %mul3A_388 : i32 to index
      %swap3A_392 = tpu.vector_load %arg7[%swap3A_390, %swap3A_391] {strides = array<i32>} : memref<64x512xf32, #tpu.memory_space<vmem>>, vector<16xf32>,
      tpu.vector_store %arg7[%swap3A_390, %swap3A_391], %gather3A_386 {strides = array<i32>} : memref<64x512xf32, #tpu.memory_space<vmem>>, vector<16xf32>,
      %broadcast_in_dim3A_393 = arith.constant 36 : i32
      %broadcast_in_dim3A_394 = vector.broadcast %broadcast_in_dim3A_393 : i32 to vector<16xi32>
      %gather3A_395 = tpu.vector_load_idx %arg6[%broadcast_in_dim3A_394, %get3A_66] : memref<64x1024xf32, #tpu.memory_space<vmem>>[vector<16xi32>, vector<16xi32>], vector<16xf32>,
      %mul3A_396 = arith.constant 16 : i32
      %mul3A_397 = arith.muli %scan3A_61, %mul3A_396 : i32
      %swap3A_398 = arith.constant 36 : i32
      %swap3A_399 = arith.index_cast %swap3A_398 : i32 to index
      %swap3A_400 = arith.index_cast %mul3A_397 : i32 to index
      %swap3A_401 = tpu.vector_load %arg7[%swap3A_399, %swap3A_400] {strides = array<i32>} : memref<64x512xf32, #tpu.memory_space<vmem>>, vector<16xf32>,
      tpu.vector_store %arg7[%swap3A_399, %swap3A_400], %gather3A_395 {strides = array<i32>} : memref<64x512xf32, #tpu.memory_space<vmem>>, vector<16xf32>,
      %broadcast_in_dim3A_402 = arith.constant 37 : i32
      %broadcast_in_dim3A_403 = vector.broadcast %broadcast_in_dim3A_402 : i32 to vector<16xi32>
      %gather3A_404 = tpu.vector_load_idx %arg6[%broadcast_in_dim3A_403, %get3A_66] : memref<64x1024xf32, #tpu.memory_space<vmem>>[vector<16xi32>, vector<16xi32>], vector<16xf32>,
      %mul3A_405 = arith.constant 16 : i32
      %mul3A_406 = arith.muli %scan3A_61, %mul3A_405 : i32
      %swap3A_407 = arith.constant 37 : i32
      %swap3A_408 = arith.index_cast %swap3A_407 : i32 to index
      %swap3A_409 = arith.index_cast %mul3A_406 : i32 to index
      %swap3A_410 = tpu.vector_load %arg7[%swap3A_408, %swap3A_409] {strides = array<i32>} : memref<64x512xf32, #tpu.memory_space<vmem>>, vector<16xf32>,
      tpu.vector_store %arg7[%swap3A_408, %swap3A_409], %gather3A_404 {strides = array<i32>} : memref<64x512xf32, #tpu.memory_space<vmem>>, vector<16xf32>,
      %broadcast_in_dim3A_411 = arith.constant 38 : i32
      %broadcast_in_dim3A_412 = vector.broadcast %broadcast_in_dim3A_411 : i32 to vector<16xi32>
      %gather3A_413 = tpu.vector_load_idx %arg6[%broadcast_in_dim3A_412, %get3A_66] : memref<64x1024xf32, #tpu.memory_space<vmem>>[vector<16xi32>, vector<16xi32>], vector<16xf32>,
      %mul3A_414 = arith.constant 16 : i32
      %mul3A_415 = arith.muli %scan3A_61, %mul3A_414 : i32
      %swap3A_416 = arith.constant 38 : i32
      %swap3A_417 = arith.index_cast %swap3A_416 : i32 to index
      %swap3A_418 = arith.index_cast %mul3A_415 : i32 to index
      %swap3A_419 = tpu.vector_load %arg7[%swap3A_417, %swap3A_418] {strides = array<i32>} : memref<64x512xf32, #tpu.memory_space<vmem>>, vector<16xf32>,
      tpu.vector_store %arg7[%swap3A_417, %swap3A_418], %gather3A_413 {strides = array<i32>} : memref<64x512xf32, #tpu.memory_space<vmem>>, vector<16xf32>,
      %broadcast_in_dim3A_420 = arith.constant 39 : i32
      %broadcast_in_dim3A_421 = vector.broadcast %broadcast_in_dim3A_420 : i32 to vector<16xi32>
      %gather3A_422 = tpu.vector_load_idx %arg6[%broadcast_in_dim3A_421, %get3A_66] : memref<64x1024xf32, #tpu.memory_space<vmem>>[vector<16xi32>, vector<16xi32>], vector<16xf32>,
      %mul3A_423 = arith.constant 16 : i32
      %mul3A_424 = arith.muli %scan3A_61, %mul3A_423 : i32
      %swap3A_425 = arith.constant 39 : i32
      %swap3A_426 = arith.index_cast %swap3A_425 : i32 to index
      %swap3A_427 = arith.index_cast %mul3A_424 : i32 to index
      %swap3A_428 = tpu.vector_load %arg7[%swap3A_426, %swap3A_427] {strides = array<i32>} : memref<64x512xf32, #tpu.memory_space<vmem>>, vector<16xf32>,
      tpu.vector_store %arg7[%swap3A_426, %swap3A_427], %gather3A_422 {strides = array<i32>} : memref<64x512xf32, #tpu.memory_space<vmem>>, vector<16xf32>,
      %broadcast_in_dim3A_429 = arith.constant 40 : i32
      %broadcast_in_dim3A_430 = vector.broadcast %broadcast_in_dim3A_429 : i32 to vector<16xi32>
      %gather3A_431 = tpu.vector_load_idx %arg6[%broadcast_in_dim3A_430, %get3A_66] : memref<64x1024xf32, #tpu.memory_space<vmem>>[vector<16xi32>, vector<16xi32>], vector<16xf32>,
      %mul3A_432 = arith.constant 16 : i32
      %mul3A_433 = arith.muli %scan3A_61, %mul3A_432 : i32
      %swap3A_434 = arith.constant 40 : i32
      %swap3A_435 = arith.index_cast %swap3A_434 : i32 to index
      %swap3A_436 = arith.index_cast %mul3A_433 : i32 to index
      %swap3A_437 = tpu.vector_load %arg7[%swap3A_435, %swap3A_436] {strides = array<i32>} : memref<64x512xf32, #tpu.memory_space<vmem>>, vector<16xf32>,
      tpu.vector_store %arg7[%swap3A_435, %swap3A_436], %gather3A_431 {strides = array<i32>} : memref<64x512xf32, #tpu.memory_space<vmem>>, vector<16xf32>,
      %broadcast_in_dim3A_438 = arith.constant 41 : i32
      %broadcast_in_dim3A_439 = vector.broadcast %broadcast_in_dim3A_438 : i32 to vector<16xi32>
      %gather3A_440 = tpu.vector_load_idx %arg6[%broadcast_in_dim3A_439, %get3A_66] : memref<64x1024xf32, #tpu.memory_space<vmem>>[vector<16xi32>, vector<16xi32>], vector<16xf32>,
      %mul3A_441 = arith.constant 16 : i32
      %mul3A_442 = arith.muli %scan3A_61, %mul3A_441 : i32
      %swap3A_443 = arith.constant 41 : i32
      %swap3A_444 = arith.index_cast %swap3A_443 : i32 to index
      %swap3A_445 = arith.index_cast %mul3A_442 : i32 to index
      %swap3A_446 = tpu.vector_load %arg7[%swap3A_444, %swap3A_445] {strides = array<i32>} : memref<64x512xf32, #tpu.memory_space<vmem>>, vector<16xf32>,
      tpu.vector_store %arg7[%swap3A_444, %swap3A_445], %gather3A_440 {strides = array<i32>} : memref<64x512xf32, #tpu.memory_space<vmem>>, vector<16xf32>,
      %broadcast_in_dim3A_447 = arith.constant 42 : i32
      %broadcast_in_dim3A_448 = vector.broadcast %broadcast_in_dim3A_447 : i32 to vector<16xi32>
      %gather3A_449 = tpu.vector_load_idx %arg6[%broadcast_in_dim3A_448, %get3A_66] : memref<64x1024xf32, #tpu.memory_space<vmem>>[vector<16xi32>, vector<16xi32>], vector<16xf32>,
      %mul3A_450 = arith.constant 16 : i32
      %mul3A_451 = arith.muli %scan3A_61, %mul3A_450 : i32
      %swap3A_452 = arith.constant 42 : i32
      %swap3A_453 = arith.index_cast %swap3A_452 : i32 to index
      %swap3A_454 = arith.index_cast %mul3A_451 : i32 to index
      %swap3A_455 = tpu.vector_load %arg7[%swap3A_453, %swap3A_454] {strides = array<i32>} : memref<64x512xf32, #tpu.memory_space<vmem>>, vector<16xf32>,
      tpu.vector_store %arg7[%swap3A_453, %swap3A_454], %gather3A_449 {strides = array<i32>} : memref<64x512xf32, #tpu.memory_space<vmem>>, vector<16xf32>,
      %broadcast_in_dim3A_456 = arith.constant 43 : i32
      %broadcast_in_dim3A_457 = vector.broadcast %broadcast_in_dim3A_456 : i32 to vector<16xi32>
      %gather3A_458 = tpu.vector_load_idx %arg6[%broadcast_in_dim3A_457, %get3A_66] : memref<64x1024xf32, #tpu.memory_space<vmem>>[vector<16xi32>, vector<16xi32>], vector<16xf32>,
      %mul3A_459 = arith.constant 16 : i32
      %mul3A_460 = arith.muli %scan3A_61, %mul3A_459 : i32
      %swap3A_461 = arith.constant 43 : i32
      %swap3A_462 = arith.index_cast %swap3A_461 : i32 to index
      %swap3A_463 = arith.index_cast %mul3A_460 : i32 to index
      %swap3A_464 = tpu.vector_load %arg7[%swap3A_462, %swap3A_463] {strides = array<i32>} : memref<64x512xf32, #tpu.memory_space<vmem>>, vector<16xf32>,
      tpu.vector_store %arg7[%swap3A_462, %swap3A_463], %gather3A_458 {strides = array<i32>} : memref<64x512xf32, #tpu.memory_space<vmem>>, vector<16xf32>,
      %broadcast_in_dim3A_465 = arith.constant 44 : i32
      %broadcast_in_dim3A_466 = vector.broadcast %broadcast_in_dim3A_465 : i32 to vector<16xi32>
      %gather3A_467 = tpu.vector_load_idx %arg6[%broadcast_in_dim3A_466, %get3A_66] : memref<64x1024xf32, #tpu.memory_space<vmem>>[vector<16xi32>, vector<16xi32>], vector<16xf32>,
      %mul3A_468 = arith.constant 16 : i32
      %mul3A_469 = arith.muli %scan3A_61, %mul3A_468 : i32
      %swap3A_470 = arith.constant 44 : i32
      %swap3A_471 = arith.index_cast %swap3A_470 : i32 to index
      %swap3A_472 = arith.index_cast %mul3A_469 : i32 to index
      %swap3A_473 = tpu.vector_load %arg7[%swap3A_471, %swap3A_472] {strides = array<i32>} : memref<64x512xf32, #tpu.memory_space<vmem>>, vector<16xf32>,
      tpu.vector_store %arg7[%swap3A_471, %swap3A_472], %gather3A_467 {strides = array<i32>} : memref<64x512xf32, #tpu.memory_space<vmem>>, vector<16xf32>,
      %broadcast_in_dim3A_474 = arith.constant 45 : i32
      %broadcast_in_dim3A_475 = vector.broadcast %broadcast_in_dim3A_474 : i32 to vector<16xi32>
      %gather3A_476 = tpu.vector_load_idx %arg6[%broadcast_in_dim3A_475, %get3A_66] : memref<64x1024xf32, #tpu.memory_space<vmem>>[vector<16xi32>, vector<16xi32>], vector<16xf32>,
      %mul3A_477 = arith.constant 16 : i32
      %mul3A_478 = arith.muli %scan3A_61, %mul3A_477 : i32
      %swap3A_479 = arith.constant 45 : i32
      %swap3A_480 = arith.index_cast %swap3A_479 : i32 to index
      %swap3A_481 = arith.index_cast %mul3A_478 : i32 to index
      %swap3A_482 = tpu.vector_load %arg7[%swap3A_480, %swap3A_481] {strides = array<i32>} : memref<64x512xf32, #tpu.memory_space<vmem>>, vector<16xf32>,
      tpu.vector_store %arg7[%swap3A_480, %swap3A_481], %gather3A_476 {strides = array<i32>} : memref<64x512xf32, #tpu.memory_space<vmem>>, vector<16xf32>,
      %broadcast_in_dim3A_483 = arith.constant 46 : i32
      %broadcast_in_dim3A_484 = vector.broadcast %broadcast_in_dim3A_483 : i32 to vector<16xi32>
      %gather3A_485 = tpu.vector_load_idx %arg6[%broadcast_in_dim3A_484, %get3A_66] : memref<64x1024xf32, #tpu.memory_space<vmem>>[vector<16xi32>, vector<16xi32>], vector<16xf32>,
      %mul3A_486 = arith.constant 16 : i32
      %mul3A_487 = arith.muli %scan3A_61, %mul3A_486 : i32
      %swap3A_488 = arith.constant 46 : i32
      %swap3A_489 = arith.index_cast %swap3A_488 : i32 to index
      %swap3A_490 = arith.index_cast %mul3A_487 : i32 to index
      %swap3A_491 = tpu.vector_load %arg7[%swap3A_489, %swap3A_490] {strides = array<i32>} : memref<64x512xf32, #tpu.memory_space<vmem>>, vector<16xf32>,
      tpu.vector_store %arg7[%swap3A_489, %swap3A_490], %gather3A_485 {strides = array<i32>} : memref<64x512xf32, #tpu.memory_space<vmem>>, vector<16xf32>,
      %broadcast_in_dim3A_492 = arith.constant 47 : i32
      %broadcast_in_dim3A_493 = vector.broadcast %broadcast_in_dim3A_492 : i32 to vector<16xi32>
      %gather3A_494 = tpu.vector_load_idx %arg6[%broadcast_in_dim3A_493, %get3A_66] : memref<64x1024xf32, #tpu.memory_space<vmem>>[vector<16xi32>, vector<16xi32>], vector<16xf32>,
      %mul3A_495 = arith.constant 16 : i32
      %mul3A_496 = arith.muli %scan3A_61, %mul3A_495 : i32
      %swap3A_497 = arith.constant 47 : i32
      %swap3A_498 = arith.index_cast %swap3A_497 : i32 to index
      %swap3A_499 = arith.index_cast %mul3A_496 : i32 to index
      %swap3A_500 = tpu.vector_load %arg7[%swap3A_498, %swap3A_499] {strides = array<i32>} : memref<64x512xf32, #tpu.memory_space<vmem>>, vector<16xf32>,
      tpu.vector_store %arg7[%swap3A_498, %swap3A_499], %gather3A_494 {strides = array<i32>} : memref<64x512xf32, #tpu.memory_space<vmem>>, vector<16xf32>,
      %broadcast_in_dim3A_501 = arith.constant 48 : i32
      %broadcast_in_dim3A_502 = vector.broadcast %broadcast_in_dim3A_501 : i32 to vector<16xi32>
      %gather3A_503 = tpu.vector_load_idx %arg6[%broadcast_in_dim3A_502, %get3A_66] : memref<64x1024xf32, #tpu.memory_space<vmem>>[vector<16xi32>, vector<16xi32>], vector<16xf32>,
      %mul3A_504 = arith.constant 16 : i32
      %mul3A_505 = arith.muli %scan3A_61, %mul3A_504 : i32
      %swap3A_506 = arith.constant 48 : i32
      %swap3A_507 = arith.index_cast %swap3A_506 : i32 to index
      %swap3A_508 = arith.index_cast %mul3A_505 : i32 to index
      %swap3A_509 = tpu.vector_load %arg7[%swap3A_507, %swap3A_508] {strides = array<i32>} : memref<64x512xf32, #tpu.memory_space<vmem>>, vector<16xf32>,
      tpu.vector_store %arg7[%swap3A_507, %swap3A_508], %gather3A_503 {strides = array<i32>} : memref<64x512xf32, #tpu.memory_space<vmem>>, vector<16xf32>,
      %broadcast_in_dim3A_510 = arith.constant 49 : i32
      %broadcast_in_dim3A_511 = vector.broadcast %broadcast_in_dim3A_510 : i32 to vector<16xi32>
      %gather3A_512 = tpu.vector_load_idx %arg6[%broadcast_in_dim3A_511, %get3A_66] : memref<64x1024xf32, #tpu.memory_space<vmem>>[vector<16xi32>, vector<16xi32>], vector<16xf32>,
      %mul3A_513 = arith.constant 16 : i32
      %mul3A_514 = arith.muli %scan3A_61, %mul3A_513 : i32
      %swap3A_515 = arith.constant 49 : i32
      %swap3A_516 = arith.index_cast %swap3A_515 : i32 to index
      %swap3A_517 = arith.index_cast %mul3A_514 : i32 to index
      %swap3A_518 = tpu.vector_load %arg7[%swap3A_516, %swap3A_517] {strides = array<i32>} : memref<64x512xf32, #tpu.memory_space<vmem>>, vector<16xf32>,
      tpu.vector_store %arg7[%swap3A_516, %swap3A_517], %gather3A_512 {strides = array<i32>} : memref<64x512xf32, #tpu.memory_space<vmem>>, vector<16xf32>,
      %broadcast_in_dim3A_519 = arith.constant 50 : i32
      %broadcast_in_dim3A_520 = vector.broadcast %broadcast_in_dim3A_519 : i32 to vector<16xi32>
      %gather3A_521 = tpu.vector_load_idx %arg6[%broadcast_in_dim3A_520, %get3A_66] : memref<64x1024xf32, #tpu.memory_space<vmem>>[vector<16xi32>, vector<16xi32>], vector<16xf32>,
      %mul3A_522 = arith.constant 16 : i32
      %mul3A_523 = arith.muli %scan3A_61, %mul3A_522 : i32
      %swap3A_524 = arith.constant 50 : i32
      %swap3A_525 = arith.index_cast %swap3A_524 : i32 to index
      %swap3A_526 = arith.index_cast %mul3A_523 : i32 to index
      %swap3A_527 = tpu.vector_load %arg7[%swap3A_525, %swap3A_526] {strides = array<i32>} : memref<64x512xf32, #tpu.memory_space<vmem>>, vector<16xf32>,
      tpu.vector_store %arg7[%swap3A_525, %swap3A_526], %gather3A_521 {strides = array<i32>} : memref<64x512xf32, #tpu.memory_space<vmem>>, vector<16xf32>,
      %broadcast_in_dim3A_528 = arith.constant 51 : i32
      %broadcast_in_dim3A_529 = vector.broadcast %broadcast_in_dim3A_528 : i32 to vector<16xi32>
      %gather3A_530 = tpu.vector_load_idx %arg6[%broadcast_in_dim3A_529, %get3A_66] : memref<64x1024xf32, #tpu.memory_space<vmem>>[vector<16xi32>, vector<16xi32>], vector<16xf32>,
      %mul3A_531 = arith.constant 16 : i32
      %mul3A_532 = arith.muli %scan3A_61, %mul3A_531 : i32
      %swap3A_533 = arith.constant 51 : i32
      %swap3A_534 = arith.index_cast %swap3A_533 : i32 to index
      %swap3A_535 = arith.index_cast %mul3A_532 : i32 to index
      %swap3A_536 = tpu.vector_load %arg7[%swap3A_534, %swap3A_535] {strides = array<i32>} : memref<64x512xf32, #tpu.memory_space<vmem>>, vector<16xf32>,
      tpu.vector_store %arg7[%swap3A_534, %swap3A_535], %gather3A_530 {strides = array<i32>} : memref<64x512xf32, #tpu.memory_space<vmem>>, vector<16xf32>,
      %broadcast_in_dim3A_537 = arith.constant 52 : i32
      %broadcast_in_dim3A_538 = vector.broadcast %broadcast_in_dim3A_537 : i32 to vector<16xi32>
      %gather3A_539 = tpu.vector_load_idx %arg6[%broadcast_in_dim3A_538, %get3A_66] : memref<64x1024xf32, #tpu.memory_space<vmem>>[vector<16xi32>, vector<16xi32>], vector<16xf32>,
      %mul3A_540 = arith.constant 16 : i32
      %mul3A_541 = arith.muli %scan3A_61, %mul3A_540 : i32
      %swap3A_542 = arith.constant 52 : i32
      %swap3A_543 = arith.index_cast %swap3A_542 : i32 to index
      %swap3A_544 = arith.index_cast %mul3A_541 : i32 to index
      %swap3A_545 = tpu.vector_load %arg7[%swap3A_543, %swap3A_544] {strides = array<i32>} : memref<64x512xf32, #tpu.memory_space<vmem>>, vector<16xf32>,
      tpu.vector_store %arg7[%swap3A_543, %swap3A_544], %gather3A_539 {strides = array<i32>} : memref<64x512xf32, #tpu.memory_space<vmem>>, vector<16xf32>,
      %broadcast_in_dim3A_546 = arith.constant 53 : i32
      %broadcast_in_dim3A_547 = vector.broadcast %broadcast_in_dim3A_546 : i32 to vector<16xi32>
      %gather3A_548 = tpu.vector_load_idx %arg6[%broadcast_in_dim3A_547, %get3A_66] : memref<64x1024xf32, #tpu.memory_space<vmem>>[vector<16xi32>, vector<16xi32>], vector<16xf32>,
      %mul3A_549 = arith.constant 16 : i32
      %mul3A_550 = arith.muli %scan3A_61, %mul3A_549 : i32
      %swap3A_551 = arith.constant 53 : i32
      %swap3A_552 = arith.index_cast %swap3A_551 : i32 to index
      %swap3A_553 = arith.index_cast %mul3A_550 : i32 to index
      %swap3A_554 = tpu.vector_load %arg7[%swap3A_552, %swap3A_553] {strides = array<i32>} : memref<64x512xf32, #tpu.memory_space<vmem>>, vector<16xf32>,
      tpu.vector_store %arg7[%swap3A_552, %swap3A_553], %gather3A_548 {strides = array<i32>} : memref<64x512xf32, #tpu.memory_space<vmem>>, vector<16xf32>,
      %broadcast_in_dim3A_555 = arith.constant 54 : i32
      %broadcast_in_dim3A_556 = vector.broadcast %broadcast_in_dim3A_555 : i32 to vector<16xi32>
      %gather3A_557 = tpu.vector_load_idx %arg6[%broadcast_in_dim3A_556, %get3A_66] : memref<64x1024xf32, #tpu.memory_space<vmem>>[vector<16xi32>, vector<16xi32>], vector<16xf32>,
      %mul3A_558 = arith.constant 16 : i32
      %mul3A_559 = arith.muli %scan3A_61, %mul3A_558 : i32
      %swap3A_560 = arith.constant 54 : i32
      %swap3A_561 = arith.index_cast %swap3A_560 : i32 to index
      %swap3A_562 = arith.index_cast %mul3A_559 : i32 to index
      %swap3A_563 = tpu.vector_load %arg7[%swap3A_561, %swap3A_562] {strides = array<i32>} : memref<64x512xf32, #tpu.memory_space<vmem>>, vector<16xf32>,
      tpu.vector_store %arg7[%swap3A_561, %swap3A_562], %gather3A_557 {strides = array<i32>} : memref<64x512xf32, #tpu.memory_space<vmem>>, vector<16xf32>,
      %broadcast_in_dim3A_564 = arith.constant 55 : i32
      %broadcast_in_dim3A_565 = vector.broadcast %broadcast_in_dim3A_564 : i32 to vector<16xi32>
      %gather3A_566 = tpu.vector_load_idx %arg6[%broadcast_in_dim3A_565, %get3A_66] : memref<64x1024xf32, #tpu.memory_space<vmem>>[vector<16xi32>, vector<16xi32>], vector<16xf32>,
      %mul3A_567 = arith.constant 16 : i32
      %mul3A_568 = arith.muli %scan3A_61, %mul3A_567 : i32
      %swap3A_569 = arith.constant 55 : i32
      %swap3A_570 = arith.index_cast %swap3A_569 : i32 to index
      %swap3A_571 = arith.index_cast %mul3A_568 : i32 to index
      %swap3A_572 = tpu.vector_load %arg7[%swap3A_570, %swap3A_571] {strides = array<i32>} : memref<64x512xf32, #tpu.memory_space<vmem>>, vector<16xf32>,
      tpu.vector_store %arg7[%swap3A_570, %swap3A_571], %gather3A_566 {strides = array<i32>} : memref<64x512xf32, #tpu.memory_space<vmem>>, vector<16xf32>,
      %broadcast_in_dim3A_573 = arith.constant 56 : i32
      %broadcast_in_dim3A_574 = vector.broadcast %broadcast_in_dim3A_573 : i32 to vector<16xi32>
      %gather3A_575 = tpu.vector_load_idx %arg6[%broadcast_in_dim3A_574, %get3A_66] : memref<64x1024xf32, #tpu.memory_space<vmem>>[vector<16xi32>, vector<16xi32>], vector<16xf32>,
      %mul3A_576 = arith.constant 16 : i32
      %mul3A_577 = arith.muli %scan3A_61, %mul3A_576 : i32
      %swap3A_578 = arith.constant 56 : i32
      %swap3A_579 = arith.index_cast %swap3A_578 : i32 to index
      %swap3A_580 = arith.index_cast %mul3A_577 : i32 to index
      %swap3A_581 = tpu.vector_load %arg7[%swap3A_579, %swap3A_580] {strides = array<i32>} : memref<64x512xf32, #tpu.memory_space<vmem>>, vector<16xf32>,
      tpu.vector_store %arg7[%swap3A_579, %swap3A_580], %gather3A_575 {strides = array<i32>} : memref<64x512xf32, #tpu.memory_space<vmem>>, vector<16xf32>,
      %broadcast_in_dim3A_582 = arith.constant 57 : i32
      %broadcast_in_dim3A_583 = vector.broadcast %broadcast_in_dim3A_582 : i32 to vector<16xi32>
      %gather3A_584 = tpu.vector_load_idx %arg6[%broadcast_in_dim3A_583, %get3A_66] : memref<64x1024xf32, #tpu.memory_space<vmem>>[vector<16xi32>, vector<16xi32>], vector<16xf32>,
      %mul3A_585 = arith.constant 16 : i32
      %mul3A_586 = arith.muli %scan3A_61, %mul3A_585 : i32
      %swap3A_587 = arith.constant 57 : i32
      %swap3A_588 = arith.index_cast %swap3A_587 : i32 to index
      %swap3A_589 = arith.index_cast %mul3A_586 : i32 to index
      %swap3A_590 = tpu.vector_load %arg7[%swap3A_588, %swap3A_589] {strides = array<i32>} : memref<64x512xf32, #tpu.memory_space<vmem>>, vector<16xf32>,
      tpu.vector_store %arg7[%swap3A_588, %swap3A_589], %gather3A_584 {strides = array<i32>} : memref<64x512xf32, #tpu.memory_space<vmem>>, vector<16xf32>,
      %broadcast_in_dim3A_591 = arith.constant 58 : i32
      %broadcast_in_dim3A_592 = vector.broadcast %broadcast_in_dim3A_591 : i32 to vector<16xi32>
      %gather3A_593 = tpu.vector_load_idx %arg6[%broadcast_in_dim3A_592, %get3A_66] : memref<64x1024xf32, #tpu.memory_space<vmem>>[vector<16xi32>, vector<16xi32>], vector<16xf32>,
      %mul3A_594 = arith.constant 16 : i32
      %mul3A_595 = arith.muli %scan3A_61, %mul3A_594 : i32
      %swap3A_596 = arith.constant 58 : i32
      %swap3A_597 = arith.index_cast %swap3A_596 : i32 to index
      %swap3A_598 = arith.index_cast %mul3A_595 : i32 to index
      %swap3A_599 = tpu.vector_load %arg7[%swap3A_597, %swap3A_598] {strides = array<i32>} : memref<64x512xf32, #tpu.memory_space<vmem>>, vector<16xf32>,
      tpu.vector_store %arg7[%swap3A_597, %swap3A_598], %gather3A_593 {strides = array<i32>} : memref<64x512xf32, #tpu.memory_space<vmem>>, vector<16xf32>,
      %broadcast_in_dim3A_600 = arith.constant 59 : i32
      %broadcast_in_dim3A_601 = vector.broadcast %broadcast_in_dim3A_600 : i32 to vector<16xi32>
      %gather3A_602 = tpu.vector_load_idx %arg6[%broadcast_in_dim3A_601, %get3A_66] : memref<64x1024xf32, #tpu.memory_space<vmem>>[vector<16xi32>, vector<16xi32>], vector<16xf32>,
      %mul3A_603 = arith.constant 16 : i32
      %mul3A_604 = arith.muli %scan3A_61, %mul3A_603 : i32
      %swap3A_605 = arith.constant 59 : i32
      %swap3A_606 = arith.index_cast %swap3A_605 : i32 to index
      %swap3A_607 = arith.index_cast %mul3A_604 : i32 to index
      %swap3A_608 = tpu.vector_load %arg7[%swap3A_606, %swap3A_607] {strides = array<i32>} : memref<64x512xf32, #tpu.memory_space<vmem>>, vector<16xf32>,
      tpu.vector_store %arg7[%swap3A_606, %swap3A_607], %gather3A_602 {strides = array<i32>} : memref<64x512xf32, #tpu.memory_space<vmem>>, vector<16xf32>,
      %broadcast_in_dim3A_609 = arith.constant 60 : i32
      %broadcast_in_dim3A_610 = vector.broadcast %broadcast_in_dim3A_609 : i32 to vector<16xi32>
      %gather3A_611 = tpu.vector_load_idx %arg6[%broadcast_in_dim3A_610, %get3A_66] : memref<64x1024xf32, #tpu.memory_space<vmem>>[vector<16xi32>, vector<16xi32>], vector<16xf32>,
      %mul3A_612 = arith.constant 16 : i32
      %mul3A_613 = arith.muli %scan3A_61, %mul3A_612 : i32
      %swap3A_614 = arith.constant 60 : i32
      %swap3A_615 = arith.index_cast %swap3A_614 : i32 to index
      %swap3A_616 = arith.index_cast %mul3A_613 : i32 to index
      %swap3A_617 = tpu.vector_load %arg7[%swap3A_615, %swap3A_616] {strides = array<i32>} : memref<64x512xf32, #tpu.memory_space<vmem>>, vector<16xf32>,
      tpu.vector_store %arg7[%swap3A_615, %swap3A_616], %gather3A_611 {strides = array<i32>} : memref<64x512xf32, #tpu.memory_space<vmem>>, vector<16xf32>,
      %broadcast_in_dim3A_618 = arith.constant 61 : i32
      %broadcast_in_dim3A_619 = vector.broadcast %broadcast_in_dim3A_618 : i32 to vector<16xi32>
      %gather3A_620 = tpu.vector_load_idx %arg6[%broadcast_in_dim3A_619, %get3A_66] : memref<64x1024xf32, #tpu.memory_space<vmem>>[vector<16xi32>, vector<16xi32>], vector<16xf32>,
      %mul3A_621 = arith.constant 16 : i32
      %mul3A_622 = arith.muli %scan3A_61, %mul3A_621 : i32
      %swap3A_623 = arith.constant 61 : i32
      %swap3A_624 = arith.index_cast %swap3A_623 : i32 to index
      %swap3A_625 = arith.index_cast %mul3A_622 : i32 to index
      %swap3A_626 = tpu.vector_load %arg7[%swap3A_624, %swap3A_625] {strides = array<i32>} : memref<64x512xf32, #tpu.memory_space<vmem>>, vector<16xf32>,
      tpu.vector_store %arg7[%swap3A_624, %swap3A_625], %gather3A_620 {strides = array<i32>} : memref<64x512xf32, #tpu.memory_space<vmem>>, vector<16xf32>,
      %broadcast_in_dim3A_627 = arith.constant 62 : i32
      %broadcast_in_dim3A_628 = vector.broadcast %broadcast_in_dim3A_627 : i32 to vector<16xi32>
      %gather3A_629 = tpu.vector_load_idx %arg6[%broadcast_in_dim3A_628, %get3A_66] : memref<64x1024xf32, #tpu.memory_space<vmem>>[vector<16xi32>, vector<16xi32>], vector<16xf32>,
      %mul3A_630 = arith.constant 16 : i32
      %mul3A_631 = arith.muli %scan3A_61, %mul3A_630 : i32
      %swap3A_632 = arith.constant 62 : i32
      %swap3A_633 = arith.index_cast %swap3A_632 : i32 to index
      %swap3A_634 = arith.index_cast %mul3A_631 : i32 to index
      %swap3A_635 = tpu.vector_load %arg7[%swap3A_633, %swap3A_634] {strides = array<i32>} : memref<64x512xf32, #tpu.memory_space<vmem>>, vector<16xf32>,
      tpu.vector_store %arg7[%swap3A_633, %swap3A_634], %gather3A_629 {strides = array<i32>} : memref<64x512xf32, #tpu.memory_space<vmem>>, vector<16xf32>,
      %broadcast_in_dim3A_636 = arith.constant 63 : i32
      %broadcast_in_dim3A_637 = vector.broadcast %broadcast_in_dim3A_636 : i32 to vector<16xi32>
      %gather3A_638 = tpu.vector_load_idx %arg6[%broadcast_in_dim3A_637, %get3A_66] : memref<64x1024xf32, #tpu.memory_space<vmem>>[vector<16xi32>, vector<16xi32>], vector<16xf32>,
      %mul3A_639 = arith.constant 16 : i32
      %mul3A_640 = arith.muli %scan3A_61, %mul3A_639 : i32
      %swap3A_641 = arith.constant 63 : i32
      %swap3A_642 = arith.index_cast %swap3A_641 : i32 to index
      %swap3A_643 = arith.index_cast %mul3A_640 : i32 to index
      %swap3A_644 = tpu.vector_load %arg7[%swap3A_642, %swap3A_643] {strides = array<i32>} : memref<64x512xf32, #tpu.memory_space<vmem>>, vector<16xf32>,
      tpu.vector_store %arg7[%swap3A_642, %swap3A_643], %gather3A_638 {strides = array<i32>} : memref<64x512xf32, #tpu.memory_space<vmem>>, vector<16xf32>,
    }
    %scan3A_53 = arith.constant 32 : i32
    %add3A_54 = arith.constant 512 : i32
    %add3A_55 = arith.addi %mul3A_34, %add3A_54 : i32
    "tpu.region"() ({
      %run_scoped3A = tpu.sem_alloc : memref<!tpu.dma_semaphore, #tpu.memory_space<semaphore_mem>>
      %dma_start3A = arith.constant 0 : i32
      %dma_start3A_61 = tpu.memref_slice %arg4[%select_n3A, %dma_start3A, %add3A_55] : memref<4x64x8192xf32, #tpu.memory_space<hbm>> -> memref<1x64x512xf32, #tpu.memory_space<hbm>>
      %dma_start3A_62 = tpu.memref_squeeze %dma_start3A_61 : memref<1x64x512xf32, #tpu.memory_space<hbm>> -> memref<64x512xf32, #tpu.memory_space<hbm>>
      %dma_start3A_63 = arith.constant 0 : i32
      %dma_start3A_64 = tpu.memref_slice %arg4[%select_n3A, %dma_start3A_63, %add3A_55] : memref<4x64x8192xf32, #tpu.memory_space<hbm>> -> memref<1x64x512xf32, #tpu.memory_space<hbm>>
      %dma_start3A_65 = tpu.memref_squeeze %dma_start3A_64 : memref<1x64x512xf32, #tpu.memory_space<hbm>> -> memref<64x512xf32, #tpu.memory_space<hbm>>
      tpu.enqueue_dma source(%arg7 : memref<64x512xf32, #tpu.memory_space<vmem>>) target(%dma_start3A_65 : memref<64x512xf32, #tpu.memory_space<hbm>>) target_semaphore(%run_scoped3A : memref<!tpu.dma_semaphore, #tpu.memory_space<semaphore_mem>>)
      %dma_wait3A = arith.constant 0 : i32
      %dma_wait3A_66 = tpu.memref_slice %arg4[%select_n3A, %dma_wait3A, %add3A_55] : memref<4x64x8192xf32, #tpu.memory_space<hbm>> -> memref<1x64x512xf32, #tpu.memory_space<hbm>>
      %dma_wait3A_67 = tpu.memref_squeeze %dma_wait3A_66 : memref<1x64x512xf32, #tpu.memory_space<hbm>> -> memref<64x512xf32, #tpu.memory_space<hbm>>
      %dma_wait3A_68 = arith.constant 0 : i32
      %dma_wait3A_69 = tpu.memref_slice %arg4[%select_n3A, %dma_wait3A_68, %add3A_55] : memref<4x64x8192xf32, #tpu.memory_space<hbm>> -> memref<1x64x512xf32, #tpu.memory_space<hbm>>
      %dma_wait3A_70 = tpu.memref_squeeze %dma_wait3A_69 : memref<1x64x512xf32, #tpu.memory_space<hbm>> -> memref<64x512xf32, #tpu.memory_space<hbm>>
      tpu.wait_dma2 semaphore(%run_scoped3A : memref<!tpu.dma_semaphore, #tpu.memory_space<semaphore_mem>>) src(%arg7 : memref<64x512xf32, #tpu.memory_space<vmem>>) dst(%dma_wait3A_70 : memref<64x512xf32, #tpu.memory_space<hbm>>)
      tpu.yield
    }) : () -> ()
    %scan3A_56 = arith.constant 0 : i32
    %scan3A_57 = arith.constant 64 : i32
    %scan3A_58 = arith.addi %scan3A_56, %scan3A_57 : i32
    %scan3A_59 = arith.constant 1 : i32
    scf.for %scan3A_61 = %scan3A_56 to %scan3A_58 step %scan3A_59  : i32 {
      %mul3A_62 = arith.constant 16 : i32
      %mul3A_63 = arith.muli %scan3A_61, %mul3A_62 : i32
      %add3A_64 = arith.constant 0 : i32
      %add3A_65 = arith.addi %add3A_64, %mul3A_63 : i32
      %get3A = arith.index_cast %add3A_65 : i32 to index
      %get3A_66 = tpu.vector_load %arg9[%get3A] {strides = array<i32>} : memref<16384xf32, #tpu.memory_space<vmem>>, vector<16xf32>,
      %add3A_67 = arith.addf %broadcast_in_dim3A_35, %get3A_66 : vector<16xf32>
      %mul3A_68 = arith.constant 16 : i32
      %mul3A_69 = arith.muli %scan3A_61, %mul3A_68 : i32
      %add3A_70 = arith.constant 1024 : i32
      %add3A_71 = arith.addi %add3A_70, %mul3A_69 : i32
      %get3A_72 = arith.index_cast %add3A_71 : i32 to index
      %get3A_73 = tpu.vector_load %arg9[%get3A_72] {strides = array<i32>} : memref<16384xf32, #tpu.memory_space<vmem>>, vector<16xf32>,
      %add3A_74 = arith.addf %add3A_67, %get3A_73 : vector<16xf32>
      %mul3A_75 = arith.constant 16 : i32
      %mul3A_76 = arith.muli %scan3A_61, %mul3A_75 : i32
      %add3A_77 = arith.constant 2048 : i32
      %add3A_78 = arith.addi %add3A_77, %mul3A_76 : i32
      %get3A_79 = arith.index_cast %add3A_78 : i32 to index
      %get3A_80 = tpu.vector_load %arg9[%get3A_79] {strides = array<i32>} : memref<16384xf32, #tpu.memory_space<vmem>>, vector<16xf32>,
      %add3A_81 = arith.addf %add3A_74, %get3A_80 : vector<16xf32>
      %mul3A_82 = arith.constant 16 : i32
      %mul3A_83 = arith.muli %scan3A_61, %mul3A_82 : i32
      %add3A_84 = arith.constant 3072 : i32
      %add3A_85 = arith.addi %add3A_84, %mul3A_83 : i32
      %get3A_86 = arith.index_cast %add3A_85 : i32 to index
      %get3A_87 = tpu.vector_load %arg9[%get3A_86] {strides = array<i32>} : memref<16384xf32, #tpu.memory_space<vmem>>, vector<16xf32>,
      %add3A_88 = arith.addf %add3A_81, %get3A_87 : vector<16xf32>
      %mul3A_89 = arith.constant 16 : i32
      %mul3A_90 = arith.muli %scan3A_61, %mul3A_89 : i32
      %add3A_91 = arith.constant 4096 : i32
      %add3A_92 = arith.addi %add3A_91, %mul3A_90 : i32
      %get3A_93 = arith.index_cast %add3A_92 : i32 to index
      %get3A_94 = tpu.vector_load %arg9[%get3A_93] {strides = array<i32>} : memref<16384xf32, #tpu.memory_space<vmem>>, vector<16xf32>,
      %add3A_95 = arith.addf %add3A_88, %get3A_94 : vector<16xf32>
      %mul3A_96 = arith.constant 16 : i32
      %mul3A_97 = arith.muli %scan3A_61, %mul3A_96 : i32
      %add3A_98 = arith.constant 5120 : i32
      %add3A_99 = arith.addi %add3A_98, %mul3A_97 : i32
      %get3A_100 = arith.index_cast %add3A_99 : i32 to index
      %get3A_101 = tpu.vector_load %arg9[%get3A_100] {strides = array<i32>} : memref<16384xf32, #tpu.memory_space<vmem>>, vector<16xf32>,
      %add3A_102 = arith.addf %add3A_95, %get3A_101 : vector<16xf32>
      %mul3A_103 = arith.constant 16 : i32
      %mul3A_104 = arith.muli %scan3A_61, %mul3A_103 : i32
      %add3A_105 = arith.constant 6144 : i32
      %add3A_106 = arith.addi %add3A_105, %mul3A_104 : i32
      %get3A_107 = arith.index_cast %add3A_106 : i32 to index
      %get3A_108 = tpu.vector_load %arg9[%get3A_107] {strides = array<i32>} : memref<16384xf32, #tpu.memory_space<vmem>>, vector<16xf32>,
      %add3A_109 = arith.addf %add3A_102, %get3A_108 : vector<16xf32>
      %mul3A_110 = arith.constant 16 : i32
      %mul3A_111 = arith.muli %scan3A_61, %mul3A_110 : i32
      %add3A_112 = arith.constant 7168 : i32
      %add3A_113 = arith.addi %add3A_112, %mul3A_111 : i32
      %get3A_114 = arith.index_cast %add3A_113 : i32 to index
      %get3A_115 = tpu.vector_load %arg9[%get3A_114] {strides = array<i32>} : memref<16384xf32, #tpu.memory_space<vmem>>, vector<16xf32>,
      %add3A_116 = arith.addf %add3A_109, %get3A_115 : vector<16xf32>
      %mul3A_117 = arith.constant 16 : i32
      %mul3A_118 = arith.muli %scan3A_61, %mul3A_117 : i32
      %add3A_119 = arith.constant 8192 : i32
      %add3A_120 = arith.addi %add3A_119, %mul3A_118 : i32
      %get3A_121 = arith.index_cast %add3A_120 : i32 to index
      %get3A_122 = tpu.vector_load %arg9[%get3A_121] {strides = array<i32>} : memref<16384xf32, #tpu.memory_space<vmem>>, vector<16xf32>,
      %add3A_123 = arith.addf %add3A_116, %get3A_122 : vector<16xf32>
      %mul3A_124 = arith.constant 16 : i32
      %mul3A_125 = arith.muli %scan3A_61, %mul3A_124 : i32
      %add3A_126 = arith.constant 9216 : i32
      %add3A_127 = arith.addi %add3A_126, %mul3A_125 : i32
      %get3A_128 = arith.index_cast %add3A_127 : i32 to index
      %get3A_129 = tpu.vector_load %arg9[%get3A_128] {strides = array<i32>} : memref<16384xf32, #tpu.memory_space<vmem>>, vector<16xf32>,
      %add3A_130 = arith.addf %add3A_123, %get3A_129 : vector<16xf32>
      %mul3A_131 = arith.constant 16 : i32
      %mul3A_132 = arith.muli %scan3A_61, %mul3A_131 : i32
      %add3A_133 = arith.constant 10240 : i32
      %add3A_134 = arith.addi %add3A_133, %mul3A_132 : i32
      %get3A_135 = arith.index_cast %add3A_134 : i32 to index
      %get3A_136 = tpu.vector_load %arg9[%get3A_135] {strides = array<i32>} : memref<16384xf32, #tpu.memory_space<vmem>>, vector<16xf32>,
      %add3A_137 = arith.addf %add3A_130, %get3A_136 : vector<16xf32>
      %mul3A_138 = arith.constant 16 : i32
      %mul3A_139 = arith.muli %scan3A_61, %mul3A_138 : i32
      %add3A_140 = arith.constant 11264 : i32
      %add3A_141 = arith.addi %add3A_140, %mul3A_139 : i32
      %get3A_142 = arith.index_cast %add3A_141 : i32 to index
      %get3A_143 = tpu.vector_load %arg9[%get3A_142] {strides = array<i32>} : memref<16384xf32, #tpu.memory_space<vmem>>, vector<16xf32>,
      %add3A_144 = arith.addf %add3A_137, %get3A_143 : vector<16xf32>
      %mul3A_145 = arith.constant 16 : i32
      %mul3A_146 = arith.muli %scan3A_61, %mul3A_145 : i32
      %add3A_147 = arith.constant 12288 : i32
      %add3A_148 = arith.addi %add3A_147, %mul3A_146 : i32
      %get3A_149 = arith.index_cast %add3A_148 : i32 to index
      %get3A_150 = tpu.vector_load %arg9[%get3A_149] {strides = array<i32>} : memref<16384xf32, #tpu.memory_space<vmem>>, vector<16xf32>,
      %add3A_151 = arith.addf %add3A_144, %get3A_150 : vector<16xf32>
      %mul3A_152 = arith.constant 16 : i32
      %mul3A_153 = arith.muli %scan3A_61, %mul3A_152 : i32
      %add3A_154 = arith.constant 13312 : i32
      %add3A_155 = arith.addi %add3A_154, %mul3A_153 : i32
      %get3A_156 = arith.index_cast %add3A_155 : i32 to index
      %get3A_157 = tpu.vector_load %arg9[%get3A_156] {strides = array<i32>} : memref<16384xf32, #tpu.memory_space<vmem>>, vector<16xf32>,
      %add3A_158 = arith.addf %add3A_151, %get3A_157 : vector<16xf32>
      %mul3A_159 = arith.constant 16 : i32
      %mul3A_160 = arith.muli %scan3A_61, %mul3A_159 : i32
      %add3A_161 = arith.constant 14336 : i32
      %add3A_162 = arith.addi %add3A_161, %mul3A_160 : i32
      %get3A_163 = arith.index_cast %add3A_162 : i32 to index
      %get3A_164 = tpu.vector_load %arg9[%get3A_163] {strides = array<i32>} : memref<16384xf32, #tpu.memory_space<vmem>>, vector<16xf32>,
      %add3A_165 = arith.addf %add3A_158, %get3A_164 : vector<16xf32>
      %mul3A_166 = arith.constant 16 : i32
      %mul3A_167 = arith.muli %scan3A_61, %mul3A_166 : i32
      %add3A_168 = arith.constant 15360 : i32
      %add3A_169 = arith.addi %add3A_168, %mul3A_167 : i32
      %get3A_170 = arith.index_cast %add3A_169 : i32 to index
      %get3A_171 = tpu.vector_load %arg9[%get3A_170] {strides = array<i32>} : memref<16384xf32, #tpu.memory_space<vmem>>, vector<16xf32>,
      %add3A_172 = arith.addf %add3A_165, %get3A_171 : vector<16xf32>
      %mul3A_173 = arith.constant 16 : i32
      %mul3A_174 = arith.muli %scan3A_61, %mul3A_173 : i32
      %swap3A = arith.index_cast %mul3A_174 : i32 to index
      %swap3A_175 = tpu.vector_load %arg10[%swap3A] {strides = array<i32>} : memref<1024xf32, #tpu.memory_space<vmem>>, vector<16xf32>,
      tpu.vector_store %arg10[%swap3A], %add3A_172 {strides = array<i32>} : memref<1024xf32, #tpu.memory_space<vmem>>, vector<16xf32>,
    }
    %scan3A_60 = arith.constant 64 : i32
    "tpu.region"() ({
      %run_scoped3A = tpu.sem_alloc : memref<!tpu.dma_semaphore, #tpu.memory_space<semaphore_mem>>
      %dma_start3A = arith.constant 0 : i32
      %dma_start3A_61 = tpu.memref_slice %arg5[%add3A, %dma_start3A] : memref<32x1024xf32, #tpu.memory_space<hbm>> -> memref<1x1024xf32, #tpu.memory_space<hbm>>
      %dma_start3A_62 = tpu.memref_squeeze %dma_start3A_61 : memref<1x1024xf32, #tpu.memory_space<hbm>> -> memref<1024xf32, #tpu.memory_space<hbm>>
      %dma_start3A_63 = arith.constant 0 : i32
      %dma_start3A_64 = tpu.memref_slice %arg5[%add3A, %dma_start3A_63] : memref<32x1024xf32, #tpu.memory_space<hbm>> -> memref<1x1024xf32, #tpu.memory_space<hbm>>
      %dma_start3A_65 = tpu.memref_squeeze %dma_start3A_64 : memref<1x1024xf32, #tpu.memory_space<hbm>> -> memref<1024xf32, #tpu.memory_space<hbm>>
      tpu.enqueue_dma source(%arg10 : memref<1024xf32, #tpu.memory_space<vmem>>) target(%dma_start3A_65 : memref<1024xf32, #tpu.memory_space<hbm>>) target_semaphore(%run_scoped3A : memref<!tpu.dma_semaphore, #tpu.memory_space<semaphore_mem>>)
      %dma_wait3A = arith.constant 0 : i32
      %dma_wait3A_66 = tpu.memref_slice %arg5[%add3A, %dma_wait3A] : memref<32x1024xf32, #tpu.memory_space<hbm>> -> memref<1x1024xf32, #tpu.memory_space<hbm>>
      %dma_wait3A_67 = tpu.memref_squeeze %dma_wait3A_66 : memref<1x1024xf32, #tpu.memory_space<hbm>> -> memref<1024xf32, #tpu.memory_space<hbm>>
      %dma_wait3A_68 = arith.constant 0 : i32
      %dma_wait3A_69 = tpu.memref_slice %arg5[%add3A, %dma_wait3A_68] : memref<32x1024xf32, #tpu.memory_space<hbm>> -> memref<1x1024xf32, #tpu.memory_space<hbm>>
      %dma_wait3A_70 = tpu.memref_squeeze %dma_wait3A_69 : memref<1x1024xf32, #tpu.memory_space<hbm>> -> memref<1024xf32, #tpu.memory_space<hbm>>
      tpu.wait_dma2 semaphore(%run_scoped3A : memref<!tpu.dma_semaphore, #tpu.memory_space<semaphore_mem>>) src(%arg10 : memref<1024xf32, #tpu.memory_space<vmem>>) dst(%dma_wait3A_70 : memref<1024xf32, #tpu.memory_space<hbm>>)
      tpu.yield
    }) : () -> ()
    return
  }
}

module attributes {stable_mosaic.version = 14 : i64} {
  func.func @_perp_body(%arg0: i32, %arg1: memref<32x1024xf32, #tpu.memory_space<vmem>>, %arg2: memref<1x1xf32, #tpu.memory_space<vmem>>) attributes {dimension_semantics = [#tpu.dimension_semantics<arbitrary>], iteration_bounds = array<i64: 1>, scalar_prefetch = 0 : i64, scratch_operands = 0 : i64, tpu.core_type = #tpu.core_type<tc>, window_params = [{pipeline_mode = #tpu.pipeline_mode<synchronous>, transform_indices = @transform_0, window_bounds = array<i64: 32, 1024>}, {pipeline_mode = #tpu.pipeline_mode<synchronous>, transform_indices = @transform_1, window_bounds = array<i64: 1, 1>}]} {
    %get3A = arith.constant 0 : index
    %get3A_0 = arith.constant 0 : index
    %get3A_1 = vector.load %arg1[%get3A, %get3A_0] : memref<32x1024xf32, #tpu.memory_space<vmem>>, vector<32x1024xf32>
    %reduce_sum3A = arith.constant dense<0.000000e+00> : vector<1024xf32>
    %reduce_sum3A_2 = vector.multi_reduction <add>, %get3A_1, %reduce_sum3A [0] : vector<32x1024xf32> to vector<1024xf32>
    %broadcast_in_dim3A = vector.shape_cast %reduce_sum3A_2 : vector<1024xf32> to vector<1x1024xf32>
    %div3A = arith.constant 3.276800e+04 : f32
    %div3A_3 = vector.broadcast %div3A : f32 to vector<1x1024xf32>
    %div3A_4 = arith.divf %broadcast_in_dim3A, %div3A_3 : vector<1x1024xf32>
    %add3A = arith.constant 1.000000e-10 : f32
    %add3A_5 = vector.broadcast %add3A : f32 to vector<1x1024xf32>
    %add3A_6 = arith.addf %div3A_4, %add3A_5 : vector<1x1024xf32>
    %log3A = math.log %add3A_6 : vector<1x1024xf32>
    %mul3A = arith.mulf %div3A_4, %log3A : vector<1x1024xf32>
    %reduce_sum3A_7 = arith.constant dense<0.000000e+00> : vector<1xf32>
    %reduce_sum3A_8 = vector.multi_reduction <add>, %mul3A, %reduce_sum3A_7 [1] : vector<1x1024xf32> to vector<1xf32>
    %broadcast_in_dim3A_9 = vector.shape_cast %reduce_sum3A_8 : vector<1xf32> to vector<1x1xf32>
    %neg3A = arith.constant 0.000000e+00 : f32
    %neg3A_10 = vector.broadcast %neg3A : f32 to vector<1x1xf32>
    %neg3A_11 = arith.subf %neg3A_10, %broadcast_in_dim3A_9 : vector<1x1xf32>
    %exp3A = math.exp %neg3A_11 : vector<1x1xf32>
    %swap3A = arith.constant 0 : index
    %swap3A_12 = arith.constant 0 : index
    %swap3A_13 = vector.load %arg2[%swap3A, %swap3A_12] : memref<1x1xf32, #tpu.memory_space<vmem>>, vector<1x1xf32>
    tpu.vector_store %arg2[%swap3A, %swap3A_12], %exp3A {strides = array<i32>} : memref<1x1xf32, #tpu.memory_space<vmem>>, vector<1x1xf32>,
    return
  }
  func.func @transform_0(%arg0: i32) -> (i32, i32) {
    %c0_i32 = arith.constant 0 : i32
    %c0_i32_0 = arith.constant 0 : i32
    %c0_i32_1 = arith.constant 0 : i32
    return %c0_i32, %c0_i32_0 : i32, i32
  }
  func.func @transform_1(%arg0: i32) -> (i32, i32) {
    %c0_i32 = arith.constant 0 : i32
    %c0_i32_0 = arith.constant 0 : i32
    %c0_i32_1 = arith.constant 0 : i32
    return %c0_i32, %c0_i32_0 : i32, i32
  }
}

module attributes {stable_mosaic.version = 14 : i64} {
  func.func @_argmin_body(%arg0: i32, %arg1: i32, %arg2: memref<4096x64xf32, #tpu.memory_space<vmem>>, %arg3: memref<64x1024xf32, #tpu.memory_space<vmem>>, %arg4: memref<64x1024xf32, #tpu.memory_space<vmem>>, %arg5: memref<1x1x4096xi32, #tpu.memory_space<vmem>>, %arg6: memref<1x1xf32, #tpu.memory_space<vmem>>, %arg7: memref<1x1xf32, #tpu.memory_space<vmem>>) attributes {dimension_semantics = [#tpu.dimension_semantics<arbitrary>, #tpu.dimension_semantics<arbitrary>], iteration_bounds = array<i64: 4, 2>, scalar_prefetch = 0 : i64, scratch_operands = 1 : i64, tpu.core_type = #tpu.core_type<tc>, window_params = [{transform_indices = @transform_0, window_bounds = array<i64: 4096, 64>}, {pipeline_mode = #tpu.pipeline_mode<synchronous>, transform_indices = @transform_1, window_bounds = array<i64: 64, 1024>}, {pipeline_mode = #tpu.pipeline_mode<synchronous>, transform_indices = @transform_2, window_bounds = array<i64: 64, 1024>}, {transform_indices = @transform_3, window_bounds = array<i64: 1, 1, 4096>}, {pipeline_mode = #tpu.pipeline_mode<synchronous>, transform_indices = @transform_4, window_bounds = array<i64: 1, 1>}]} {
    %get3A = arith.constant 0 : index
    %get3A_0 = arith.constant 0 : index
    %get3A_1 = vector.load %arg2[%get3A, %get3A_0] : memref<4096x64xf32, #tpu.memory_space<vmem>>, vector<4096x64xf32>
    %get3A_2 = arith.constant 0 : index
    %get3A_3 = arith.constant 0 : index
    %get3A_4 = vector.load %arg3[%get3A_2, %get3A_3] : memref<64x1024xf32, #tpu.memory_space<vmem>>, vector<64x1024xf32>
    %get3A_5 = arith.constant 0 : index
    %get3A_6 = arith.constant 0 : index
    %get3A_7 = vector.load %arg4[%get3A_5, %get3A_6] : memref<64x1024xf32, #tpu.memory_space<vmem>>, vector<64x1024xf32>
    %dot_general3A = arith.constant dense<0.000000e+00> : vector<4096x1024xf32>
    %dot_general3A_8 = tpu.matmul %get3A_1, %get3A_7, %dot_general3A {dimension_numbers = #tpu.dot_dimension_numbers<[1], [0], [0], [1], [0, 0, 1, 1], [], []>, transpose_lhs_hint = false} : vector<4096x64xf32>, vector<64x1024xf32>, vector<4096x1024xf32> -> vector<4096x1024xf32>
    %mul3A = arith.mulf %get3A_1, %get3A_1 : vector<4096x64xf32>
    %reduce_sum3A = arith.constant dense<0.000000e+00> : vector<4096xf32>
    %reduce_sum3A_9 = vector.multi_reduction <add>, %mul3A, %reduce_sum3A [1] : vector<4096x64xf32> to vector<4096xf32>
    %broadcast_in_dim3A = vector.shape_cast %reduce_sum3A_9 : vector<4096xf32> to vector<4096x1xf32>
    %mul3A_10 = arith.mulf %get3A_4, %get3A_4 : vector<64x1024xf32>
    %reduce_sum3A_11 = arith.constant dense<0.000000e+00> : vector<1024xf32>
    %reduce_sum3A_12 = vector.multi_reduction <add>, %mul3A_10, %reduce_sum3A_11 [0] : vector<64x1024xf32> to vector<1024xf32>
    %broadcast_in_dim3A_13 = vector.shape_cast %reduce_sum3A_12 : vector<1024xf32> to vector<1x1024xf32>
    %add3A = vector.broadcast %broadcast_in_dim3A : vector<4096x1xf32> to vector<4096x1024xf32>
    %add3A_14 = vector.broadcast %broadcast_in_dim3A_13 : vector<1x1024xf32> to vector<4096x1024xf32>
    %add3A_15 = arith.addf %add3A, %add3A_14 : vector<4096x1024xf32>
    %sub3A = arith.subf %add3A_15, %dot_general3A_8 : vector<4096x1024xf32>
    %reduce_min3A = arith.constant dense<0x7F800000> : vector<4096xf32>
    %reduce_min3A_16 = vector.multi_reduction <minimumf>, %sub3A, %reduce_min3A [1] : vector<4096x1024xf32> to vector<4096xf32>
    %broadcast_in_dim3A_17 = vector.shape_cast %reduce_min3A_16 : vector<4096xf32> to vector<4096x1xf32>
    %iota3A = tpu.iota {dimensions = array<i32: 1>} : vector<4096x1024xi32>
    %eq3A = vector.broadcast %broadcast_in_dim3A_17 : vector<4096x1xf32> to vector<4096x1024xf32>
    %eq3A_18 = arith.cmpf oeq, %sub3A, %eq3A : vector<4096x1024xf32>
    %jit3A = arith.constant 1024 : i32
    %broadcast_in_dim3A_19 = vector.broadcast %jit3A : i32 to vector<4096x1024xi32>
    %select_n3A = arith.select %eq3A_18, %iota3A, %broadcast_in_dim3A_19 : vector<4096x1024xi1>, vector<4096x1024xi32>
    %reduce_min3A_20 = arith.constant dense<2147483647> : vector<4096xi32>
    %reduce_min3A_21 = vector.multi_reduction <minsi>, %select_n3A, %reduce_min3A_20 [1] : vector<4096x1024xi32> to vector<4096xi32>
    %broadcast_in_dim3A_22 = vector.shape_cast %reduce_min3A_21 : vector<4096xi32> to vector<4096x1xi32>
    %transpose3A = tpu.transpose %broadcast_in_dim3A_22, [1, 0] : vector<4096x1xi32> -> vector<1x4096xi32>
    %swap3A = arith.constant 0 : index
    %swap3A_23 = arith.constant 0 : index
    %swap3A_24 = arith.constant 0 : index
    %swap3A_25 = vector.load %arg5[%swap3A, %swap3A_23, %swap3A_24] : memref<1x1x4096xi32, #tpu.memory_space<vmem>>, vector<1x1x4096xi32>
    %swap3A_26 = vector.shape_cast %swap3A_25 : vector<1x1x4096xi32> to vector<1x4096xi32>
    %swap3A_27 = vector.shape_cast %transpose3A : vector<1x4096xi32> to vector<1x1x4096xi32>
    tpu.vector_store %arg5[%swap3A, %swap3A_23, %swap3A_24], %swap3A_27 {strides = array<i32>} : memref<1x1x4096xi32, #tpu.memory_space<vmem>>, vector<1x1x4096xi32>,
    %eq3A_28 = arith.constant 0 : i32
    %eq3A_29 = arith.cmpi eq, %arg0, %eq3A_28 : i32
    %eq3A_30 = arith.constant 0 : i32
    %eq3A_31 = arith.cmpi eq, %arg1, %eq3A_30 : i32
    %and3A = arith.andi %eq3A_29, %eq3A_31 : i1
    %convert_element_type3A = arith.extui %and3A : i1 to i32
    %cond3A = arith.constant 0 : i32
    %cond3A_32 = arith.cmpi ne, %convert_element_type3A, %cond3A : i32
    scf.if %cond3A_32 {
      %broadcast_in_dim3A_54 = arith.constant 0.000000e+00 : f32
      %broadcast_in_dim3A_55 = vector.broadcast %broadcast_in_dim3A_54 : f32 to vector<1x1xf32>
      %swap3A_56 = arith.constant 0 : index
      %swap3A_57 = arith.constant 0 : index
      %swap3A_58 = vector.load %arg7[%swap3A_56, %swap3A_57] : memref<1x1xf32, #tpu.memory_space<vmem>>, vector<1x1xf32>
      tpu.vector_store %arg7[%swap3A_56, %swap3A_57], %broadcast_in_dim3A_55 {strides = array<i32>} : memref<1x1xf32, #tpu.memory_space<vmem>>, vector<1x1xf32>,
    } else {
    }
    %get3A_33 = arith.constant 0 : index
    %get3A_34 = arith.constant 0 : index
    %get3A_35 = vector.load %arg7[%get3A_33, %get3A_34] : memref<1x1xf32, #tpu.memory_space<vmem>>, vector<1x1xf32>
    %reduce_sum3A_36 = vector.shape_cast %broadcast_in_dim3A_17 : vector<4096x1xf32> to vector<1x4096x1xf32>
    %reduce_sum3A_37 = arith.constant dense<0.000000e+00> : vector<1xf32>
    %reduce_sum3A_38 = vector.multi_reduction <add>, %reduce_sum3A_36, %reduce_sum3A_37 [1, 2] : vector<1x4096x1xf32> to vector<1xf32>
    %reduce_sum3A_39 = vector.shape_cast %reduce_sum3A_38 : vector<1xf32> to vector<1x1x1xf32>
    %reduce_sum3A_40 = vector.extract %reduce_sum3A_39[0, 0, 0] : f32 from vector<1x1x1xf32>
    %broadcast_in_dim3A_41 = vector.broadcast %reduce_sum3A_40 : f32 to vector<1x1xf32>
    %add3A_42 = arith.addf %get3A_35, %broadcast_in_dim3A_41 : vector<1x1xf32>
    %swap3A_43 = arith.constant 0 : index
    %swap3A_44 = arith.constant 0 : index
    %swap3A_45 = vector.load %arg7[%swap3A_43, %swap3A_44] : memref<1x1xf32, #tpu.memory_space<vmem>>, vector<1x1xf32>
    tpu.vector_store %arg7[%swap3A_43, %swap3A_44], %add3A_42 {strides = array<i32>} : memref<1x1xf32, #tpu.memory_space<vmem>>, vector<1x1xf32>,
    %eq3A_46 = arith.constant 3 : i32
    %eq3A_47 = arith.cmpi eq, %arg0, %eq3A_46 : i32
    %eq3A_48 = arith.constant 1 : i32
    %eq3A_49 = arith.cmpi eq, %arg1, %eq3A_48 : i32
    %and3A_50 = arith.andi %eq3A_47, %eq3A_49 : i1
    %convert_element_type3A_51 = arith.extui %and3A_50 : i1 to i32
    %cond3A_52 = arith.constant 0 : i32
    %cond3A_53 = arith.cmpi ne, %convert_element_type3A_51, %cond3A_52 : i32
    scf.if %cond3A_53 {
      %get3A_54 = arith.constant 0 : index
      %get3A_55 = arith.constant 0 : index
      %get3A_56 = vector.load %arg7[%get3A_54, %get3A_55] : memref<1x1xf32, #tpu.memory_space<vmem>>, vector<1x1xf32>
      %div3A = arith.constant 0x4A000000 : f32
      %div3A_57 = vector.broadcast %div3A : f32 to vector<1x1xf32>
      %div3A_58 = arith.divf %get3A_56, %div3A_57 : vector<1x1xf32>
      %mul3A_59 = arith.constant 1.250000e+00 : f32
      %mul3A_60 = vector.broadcast %mul3A_59 : f32 to vector<1x1xf32>
      %mul3A_61 = arith.mulf %mul3A_60, %div3A_58 : vector<1x1xf32>
      %swap3A_62 = arith.constant 0 : index
      %swap3A_63 = arith.constant 0 : index
      %swap3A_64 = vector.load %arg6[%swap3A_62, %swap3A_63] : memref<1x1xf32, #tpu.memory_space<vmem>>, vector<1x1xf32>
      tpu.vector_store %arg6[%swap3A_62, %swap3A_63], %mul3A_61 {strides = array<i32>} : memref<1x1xf32, #tpu.memory_space<vmem>>, vector<1x1xf32>,
    } else {
    }
    return
  }
  func.func @transform_0(%arg0: i32, %arg1: i32) -> (i32, i32) {
    %mul3A = arith.constant 2 : i32
    %mul3A_0 = arith.muli %arg0, %mul3A : i32
    %add3A = arith.addi %mul3A_0, %arg1 : i32
    %c0_i32 = arith.constant 0 : i32
    %c0_i32_1 = arith.constant 0 : i32
    return %add3A, %c0_i32 : i32, i32
  }
  func.func @transform_1(%arg0: i32, %arg1: i32) -> (i32, i32) {
    %c0_i32 = arith.constant 0 : i32
    %c0_i32_0 = arith.constant 0 : i32
    %c0_i32_1 = arith.constant 0 : i32
    return %c0_i32, %c0_i32_0 : i32, i32
  }
  func.func @transform_2(%arg0: i32, %arg1: i32) -> (i32, i32) {
    %c0_i32 = arith.constant 0 : i32
    %c0_i32_0 = arith.constant 0 : i32
    %c0_i32_1 = arith.constant 0 : i32
    return %c0_i32, %c0_i32_0 : i32, i32
  }
  func.func @transform_3(%arg0: i32, %arg1: i32) -> (i32, i32, i32) {
    %mul3A = arith.constant 2 : i32
    %mul3A_0 = arith.muli %arg0, %mul3A : i32
    %add3A = arith.addi %mul3A_0, %arg1 : i32
    %c0_i32 = arith.constant 0 : i32
    %c0_i32_1 = arith.constant 0 : i32
    %c0_i32_2 = arith.constant 0 : i32
    return %add3A, %c0_i32, %c0_i32_1 : i32, i32, i32
  }
  func.func @transform_4(%arg0: i32, %arg1: i32) -> (i32, i32) {
    %c0_i32 = arith.constant 0 : i32
    %c0_i32_0 = arith.constant 0 : i32
    %c0_i32_1 = arith.constant 0 : i32
    return %c0_i32, %c0_i32_0 : i32, i32
  }
}

</mosaic_0001>

<sc_bundles>
// kernel: kernel.5.cloned.1.call-start
scs
__scs_entry_jumppad:
0x0: {  	(pc) =	sbr.rel $0x88, $3  }
0x1: {  	(tag) =	ssettag $0x0;
	lr =	simm.s32 $0x1  }
0x2: {  	[smem:$0x3F9F] =	sst lr;
	_ =	strace $0xD0000000  }
0x3: {  	_ = 	snop  }
0x4: {  	_ = 	snop  }
0x5: {  	_ = 	snop  }
0x6: {  	_ = 	snop  }
0x7: {  	_ = 	snop  }
__scs_overlays_trampoline_lowered:
0x8: {  	[smem:$0x3FAE] =	sst s0  }
0x9: {  	[smem:$0x3FAF] =	sst s1  }
0xa: {  	[smem:$0x3FB0] =	sst s2  }
0xb: {  	[smem:$0x3FB1] =	sst s3  }
0xc: {  	[smem:$0x3FB2] =	sst s4  }
0xd: {  	[smem:$0x3FB3] =	sst s5  }
0xe: {  	[smem:$0x3FB4] =	sst s6  }
0xf: {  	[smem:$0x3FB5] =	sst s7  }
0x10: {  	[smem:$0x3FB6] =	sst s8  }
0x11: {  	[smem:$0x3FB7] =	sst s9;
	s0 =	simm.s32 @!p0 $0x0  }
0x12: {  	s1 =	sld [smem:$0x3F9D];
	s0 =	simm.s32 @p0 $0x1  }
0x13: {  	[smem:$0x3FB8] =	sst s0;
	s0 =	simm.s32 @!p1 $0x0  }
0x14: {  	s2 =	sld [smem:$0x3F9C];
	s0 =	simm.s32 @p1 $0x1  }
0x15: {  	[smem:$0x3FB9] =	sst s0;
	s0 =	simm.s32 @!p2 $0x0  }
0x16: {  	s3 =	sld [smem:$0x3FDB];
	s0 =	simm.s32 @p2 $0x1  }
0x17: {  	s4 =	simm.s32 $0x1BF5;
	[smem:$0x3FBB] =	sst s0  }
0x18: {  	s0 =	sld [smem:$0x3F9E];
	_ =	swait.ge [sflag:s4], $0x0  }
0x19: {  	s7 =	sld [smem:$0x3F9F]  }
0x1a: {  	s8 =	sadd.s32 $0xFFFFE003, lr  }
0x1b: {  	s9 =	sadd.s32 $0xFFFFFEF7, lr;
	s5 =	simm.s32 $0xFFFFFFFF;
	p2 =	slt.u32 s8, $0xFFFFF086  }
0x1c: {  	p1 =	slt.u32 s9, $0xF7A;
	s5 =	simm.s32 @!p2 $0x0  }
0x1d: {  	s5 =	simm.s32 @p1 $0x1;
	p0 =	seq.s32 s7, s2  }
0x1e: {  	s7 =	smul.u32 @!p0 $0xF7A, s2;
	p2 =	seq.s32 @!p0 s5, $0x0  }
0x1f: {  	s9 =	smul.u32 $0xF7A, s1;
	s8 =	simm.s32 @!p0 $0x1BF5;
	p2 =	por !p2, p0  }
0x20: {  	[sflag:s8] =	ssyncset.s32 @!p0 $0xFFFFF086;
	s6 =	sadd.s32 @!p0 s3, s7;
	s7 =	simm.s32 @!p0 $0x108  }
0x21: {  	s3 =	sadd.s32 s3, s9;
	s6 =	sadd.s32 @!p0 $0x88, s6;
	s7 =	simm.s32 @p2 $0x1082  }
0x22: {  	[simem:s7], [sflag:s8] =	dma.local @!p0 [hbm:s6], $0xF7A  }
0x23: {  	s9 =	sor.u32 $0xD0000000, s2;
	s6 =	simm.s32 $0x108;
	_ =	swait.ge @!p0 [sflag:s8], $0x0  }
0x24: {  	s3 =	sadd.s32 $0x88, s3;
	s6 =	simm.s32 @!p1 $0x1082;
	[sflag:s4] =	ssyncset.s32 $0xFFFFF086  }
0x25: {  	[simem:s6], [sflag:s4] =	dma.local [hbm:s3], $0xF7A  }
0x26: {  	[smem:$0x3F9F] =	sst s1;
	(tag) =	ssettag s2;
	_ =	strace s9  }
0x27: {  	s1 =	sld [smem:$0x3FAF]  }
0x28: {  	s2 =	sld [smem:$0x3FB0]  }
0x29: {  	s4 =	sld [smem:$0x3FB2]  }
0x2a: {  	p0 =	seq.s32 s5, $0x0;
	s5 =	sld [smem:$0x3FB3]  }
0x2b: {  	s6 =	sld [smem:$0x3FB4]  }
0x2c: {  	s7 =	sld [smem:$0x3FB5]  }
0x2d: {  	s3 =	simm.s32 $0x108;
	s8 =	sld [smem:$0x3FB6]  }
0x2e: {  	s3 =	simm.s32 @!p0 $0x1082;
	s9 =	sld [smem:$0x3FB7]  }
0x2f: {  	lr =	sadd.s32 s0, s3;
	s0 =	sld [smem:$0x3FAE]  }
0x30: {  	s3 =	sld [smem:$0x3FB1]  }
0x31: {  	[smem:$0x3FBA] =	sst s10  }
0x32: {  	s10 =	sld [smem:$0x3FB8];
	_ =	sdelay $0x3  }
0x33: {  	p0 =	seq.s32 s10, $0x1;
	s10 =	sld [smem:$0x3FBA];
	_ =	sdelay $0x3  }
0x34: {  	[smem:$0x3FBA] =	sst s10  }
0x35: {  	s10 =	sld [smem:$0x3FB9];
	_ =	sdelay $0x3  }
0x36: {  	p1 =	seq.s32 s10, $0x1;
	s10 =	sld [smem:$0x3FBA];
	_ =	sdelay $0x3  }
0x37: {  	[smem:$0x3FBA] =	sst s10  }
0x38: {  	s10 =	sld [smem:$0x3FBB]  }
0x39: {  	_ = 	snop;
	(pc) =	sbr.ind lr, $3  }
0x3a: {  	_ = 	snop  }
0x3b: {  	_ = 	snop  }
0x3c: {  	p2 =	seq.s32 s10, $0x1;
	s10 =	sld [smem:$0x3FBA]  }
0x3d: {  	_ =	shalt  }
0x3e: {  	_ =	shalt  }
0x3f: {  	_ =	shalt  }
0x40: {  	_ =	shalt  }
0x41: {  	_ =	shalt  }
0x42: {  	_ =	shalt  }
0x43: {  	_ =	shalt  }
0x44: {  	_ =	shalt  }
0x45: {  	_ =	shalt  }
0x46: {  	_ =	shalt  }
0x47: {  	_ =	shalt  }
0x48: {  	_ =	shalt  }
0x49: {  	_ =	shalt  }
0x4a: {  	_ =	shalt  }
0x4b: {  	_ =	shalt  }
0x4c: {  	_ =	shalt  }
0x4d: {  	_ =	shalt  }
0x4e: {  	_ =	shalt  }
0x4f: {  	_ =	shalt  }
0x50: {  	_ =	shalt  }
0x51: {  	_ =	shalt  }
0x52: {  	_ =	shalt  }
0x53: {  	_ =	shalt  }
0x54: {  	_ =	shalt  }
0x55: {  	_ =	shalt  }
0x56: {  	_ =	shalt  }
0x57: {  	_ =	shalt  }
0x58: {  	_ =	shalt  }
0x59: {  	_ =	shalt  }
0x5a: {  	_ =	shalt  }
0x5b: {  	_ =	shalt  }
0x5c: {  	_ =	shalt  }
0x5d: {  	_ =	shalt  }
0x5e: {  	_ =	shalt  }
0x5f: {  	_ =	shalt  }
0x60: {  	_ =	shalt  }
0x61: {  	_ =	shalt  }
0x62: {  	_ =	shalt  }
0x63: {  	_ =	shalt  }
0x64: {  	_ =	shalt  }
0x65: {  	_ =	shalt  }
0x66: {  	_ =	shalt  }
0x67: {  	_ =	shalt  }
0x68: {  	_ =	shalt  }
0x69: {  	_ =	shalt  }
0x6a: {  	_ =	shalt  }
0x6b: {  	_ =	shalt  }
0x6c: {  	_ =	shalt  }
0x6d: {  	_ =	shalt  }
0x6e: {  	_ =	shalt  }
0x6f: {  	_ =	shalt  }
0x70: {  	_ =	shalt  }
0x71: {  	_ =	shalt  }
0x72: {  	_ =	shalt  }
0x73: {  	_ =	shalt  }
0x74: {  	_ =	shalt  }
0x75: {  	_ =	shalt  }
0x76: {  	_ =	shalt  }
0x77: {  	_ =	shalt  }
0x78: {  	_ =	shalt  }
0x79: {  	_ =	shalt  }
0x7a: {  	_ =	shalt  }
0x7b: {  	_ =	shalt  }
0x7c: {  	_ =	shalt  }
0x7d: {  	_ =	shalt  }
0x7e: {  	_ =	shalt  }
0x7f: {  	_ =	shalt  }
0x80: {  	_ =	shalt  }
0x81: {  	_ =	shalt  }
0x82: {  	_ =	shalt  }
0x83: {  	_ =	shalt  }
0x84: {  	_ =	shalt  }
0x85: {  	_ =	shalt  }
0x86: {  	_ =	shalt  }
0x87: {  	_ =	shalt  }
.Lfunc_end0:
.L_simem_size_0:
called_computation_lowered:
.L_overlay_start_0:
0x88: {  	s2 =	sld [smem:$0x3FD9]  }
0x89: {  	s3 =	sld [smem:$0x3FFE];
	_ =	sdelay $0x1  }
0x8a: {  	s1 =	srdreg.scid  }
0x8b: {  	s0 =	sand.u32 $0x1, s1  }
0x8c: {  	s14 =	sshll.u32 s0, $0xA;
	s2 =	sadd.s32 s3, s2  }
0x8d: {  	s2 =	sadd.s32 s2, s14  }
0x8e: {  	[smem:$0x3FC6] =	sst s2  }
0x8f: {  	_ = 	snop  }
0x90: {  	s2 =	sld [smem:$0x3FD0];
	_ =	sdelay $0x2  }
0x91: {  	s4 =	simm.s32 $0xA;
	s5 =	simm.s32 $0x10;
	s15 =	sld [smem:$0x3FC8]  }
0x92: {  	[smem:s5], [sflag:s4] =	dma.local [hbm:s2], $0x1  }
0x93: {  	_ =	swait.eq [sflag:s4], $0x1  }
0x94: {  	[sflag:s4] =	ssyncset.done $0x0  }
0x95: {  	[sflag:s4] =	ssyncadd.s32 $0xFFFFFFFF  }
0x96: {  	s16 =	sld [smem:$0x10];
	(tm) =	ssettm $0x1  }
0x97: {  	s17 =	sld [smem:$0x3FFB];
	_ =	sdelay $0x3  }
0x98: {  	_ =	strace s17  }
0x99: {  	s4 =	sld [smem:$0x3FFC];
	_ =	sdelay $0x3  }
0x9a: {  	_ =	strace s4  }
0x9b: {  	s4 =	sld [smem:$0x3FFD];
	_ =	sdelay $0x3  }
0x9c: {  	_ =	strace s4  }
0x9d: {  	_ =	strace $0x8FFFFFFF  }
0x9e: {  	s18 =	sld [smem:$0x3FDB];
	_ =	sdelay $0x1  }
0x9f: {  	s19 =	simm.s32 $_scs_section_size  }
0xa0: {  	s6 =	simm.s32 $_size__tile_overlayer_lowered;
	s7 =	simm.s32 $_tile_overlayer_lowered  }
0xa1: {  	s22 =	simm.s32 $0x1BFF;
	s21 =	sshll.u32 s7, $0x1;
	s4 =	sadd.s32 s19, s18  }
0xa2: {  	s8 =	simm.s32 $0x0;
	s20 =	sshll.u32 s6, $0x1;
	s6 =	sadd.s32 s21, s4  }
0xa3: {  	[timem:s8], [sflag:s22] =	dma.local [hbm:s6], s20  }
0xa4: {  	_ =	swait.ge [sflag:s22], s20  }
0xa5: {  	s5 =	ssub.s32 $0x0, s20;
	[sflag:s22] =	ssyncset.done $0x0  }
0xa6: {  	[sflag:s22] =	ssyncadd.s32 s5;
	_ =	sdelay $0x1  }
0xa7: {  	s23 =	simm.s32 $0x1B8B  }
0xa8: {  	_ =	swait.ge [sflag:s23], $0x1  }
0xa9: {  	[sflag:s23] =	ssyncset.done $0x0  }
0xaa: {  	s25 =	simm.s32 $0x1B8E;
	s24 =	sld [smem:$0x3FFE];
	[sflag:s23] =	ssyncadd.s32 $0xFFFFFFFF  }
0xab: {  	s26 =	simm.s32 $execute0_lowered;
	[smem:$0x3FD2] =	sst s25  }
0xac: {  	s6 =	sshll.u32 s26, $0x1;
	_ =	strace $0x80000046;
	[dreg:$0x1] =	wrdreg $0xFFFFFFFF  }
0xad: {  	s28 =	simm.s32 $_size_execute0_lowered;
	s4 =	sadd.s32 s4, s6;
	[dreg:$0x0] =	wrdreg $0x0  }
0xae: {  	s6 =	sshll.u32 s28, $0x1;
	[dreg:$0x2] =	wrdreg s4  }
0xaf: {  	[dreg:$0x3] =	wrdreg s6  }
0xb0: {  	[dreg:$0x4] =	wrdreg $0xC0  }
0xb1: {  	_ =	task [dreg:s8], $0x5FFFF  }
0xb2: {  	[dreg:$0x1] =	wrdreg $0xFFFFFFFF  }
0xb3: {  	[dreg:$0x0] =	wrdreg $0x60  }
0xb4: {  	[dreg:$0x2] =	wrdreg s15  }
0xb5: {  	[dreg:$0x3] =	wrdreg s16  }
0xb6: {  	[dreg:$0x4] =	wrdreg s24  }
0xb7: {  	[dreg:$0x5] =	wrdreg $0x9  }
0xb8: {  	_ =	task.clear_ibuf [dreg:s8], $0x6FFFF;
	_ =	strace $0x90000046  }
0xb9: {  	s29 =	simm.s32 $0x9;
	_ =	strace $0x80000048  }
0xba: {  	_ =	swait.ge [sflag:s29], $0x1  }
0xbb: {  	[sflag:s29] =	ssyncadd.s32 $0xFFFFFFFF  }
0xbc: {  	_ =	strace $0x90000048  }
0xbd: {  	_ =	sfence  }
0xbe: {  	s30 =	sld [smem:$0x0];
	_ =	sdelay $0x2  }
0xbf: {  	s31 =	sshll.u32 s1, $0xD;
	s1 =	sshrl.u32 s1, $0x2  }
0xc0: {  	s3 =	sand.u32 $0x4000, s31;
	s1 =	sadd.s32 s1, s30  }
0xc1: {  	s0 =	sor.u32 s3, s0;
	s1 =	sshll.u32 s1, $0x11  }
0xc2: {  	s0 =	sor.u32 s1, s0  }
0xc3: {  	s0 =	sadd.s32 $0x8F2B, s0  }
0xc4: {  	[sflag:s0] =	ssyncadd.remote.s32 $0x1  }
0xc5: {  	_ =	sfence.sel $0xFFFF  }
0xc6: {  	[dreg:$0x0] =	wrdreg $0xFFFFFFFF;
	(pc) =	sbr.abs _section_cstart, $3  }
0xc7: {  	[dreg:$0x1] =	wrdreg $0xFFFFFFFF  }
0xc8: {  	_ =	task.clear_ibuf [dreg:s8], $0x2FFFF;
	_ =	strace $0x9FFFFFFF  }
0xc9: {  	(tm) =	ssettm $0x7FFFFFFF  }
tec
execute0_lowered:
.L_overlay_start_1:
0x0: {  	(tag) =	ssettag $0x1  }
0x1: {  	s1 =	srdreg.scid;
	s6 =	rddreg [dreg:$0x1]  }
0x2: {  	s0 =	stileid.u32;
	s8 =	rddreg [dreg:$0x2]  }
0x3: {  	s3 =	simm.s32 $0x0;
	s13 =	simm.s32 $0x10000;
	s14 =	simm.s32 $0x80  }
0x4: {  	s15 =	simm.s32 $0x400;
	s16 =	simm.s32 $0x1C400;
	s17 =	simm.s32 $0x0  }
0x5: {  	s4 =	sand.u32 $0x1, s1;
	s2 =	sshll.u32 s0, $0x1;
	s1 =	rddreg [dreg:$0x0]  }
0x6: {  	s26 =	sshll.u32 s0, $0xB;
	[smem:$0x7FF] =	sst s3;
	s5 =	sor.u32 s4, s2  }
0x7: {  	s10 =	sadd.s32 $0x2200, s8;
	s28 =	sshll.u32 s0, $0x11;
	s7 =	sshll.u32 s5, $0x7  }
0x8: {  	s2 =	rddreg [dreg:$0x3];
	_ =	strace $0x80000047;
	s9 =	sor.u32 s26, s7  }
0x9: {  	s4 =	ssub.s32 $0x2, s4;
	s5 =	sand.u32 $0x7, s5;
	s9 =	sand.u32 $0x6380, s9  }
0xa: {  	s11 =	sshrl.u32 s4, $0x1;
	s12 =	sshll.u32 s5, $0xD;
	s9 =	sshrl.u32 s9, $0x3  }
0xb: {  	s11 =	ssub.s32 s4, s11;
	s8 =	sadd.s32 s9, s8;
	s9 =	sand.u32 $0x180000, s28  }
0xc: {  	s5 =	sshll.u32 s5, $0xA;
	s4 =	sadd.s32 s6, s7;
	s29 =	sshrl.u32 s9, $0x3  }
0xd: {  	s9 =	sor.u32 s9, s12;
	s7 =	sadd.s32 $0x1200, s8;
	s8 =	smax.u32 s11, $0x1  }
0xe: {  	s11 =	simm.s32 $0x18400;
	s30 =	sadd.s32 s10, s29;
	s9 =	sshrl.u32 s9, $0x3  }
0xf: {  	v1 =	vlaneseq.u32;
	s12 =	simm.s32 $0x1000;
	s5 =	sadd.s32 s5, s30;
	s31 =	sadd.s32 s9, s10  }
0x10: {  	v0 =	vimm.f32 $0.0e+00;
	v2 =	vimm.f32 $1.000000000e+00;
	v1 =	vmul.u32 $0x400, v1;
	s9 =	simm.s32 $0x1;
	s10 =	simm.s32 $0x18000;
	s6 =	sadd.s32 $0x200, s31  }
.LBB2_1:
0x11: {  	[tilespmem:s3], [sflag:$0x1] =	stream.linear.gather [hbm4b:s1+s3], $0x10000, $0x38;
	[tilespmem:$0x1C800] =	vst v63  }
0x12: {  	_ =	swait.ge [sflag:s9], $0x10000  }
0x13: {  	[sflag:s9] =	ssyncset.done $0x0  }
0x14: {  	[sflag:s9] =	ssyncadd.s32 $0xFFFF0000  }
0x15: {  	[tilespmem:s10], [sflag:$0x1] =	stream.linear.gather [hbm4b:s4+s3], $0x400, $0x38;
	[tilespmem:$0x1C800] =	vst v63  }
0x16: {  	_ =	swait.ge [sflag:s9], $0x400  }
0x17: {  	[sflag:s9] =	ssyncset.done $0x0  }
0x18: {  	s18 =	simm.s32 $0x0;
	[sflag:s9] =	ssyncadd.s32 $0xFFFFFC00  }
.LBB2_2:
0x19: {  	p0 =	sne.s32 s18, $0xFFC0  }
.Ltmp0:
0x1a: {  	_ = 	snop;
	(pc) =	sbr.rel @p0 .LBB2_2-.Ltmp0, $3  }
0x1b: {  	_ =	sdelay $0x1  }
0x1c: {  	s19 =	sshra.s32 s18, $0x2  }
0x1d: {  	s18 =	sadd.s32 $0x40, s18;
	[tilespmem:s19+$0x18400] =	vst v0  }
0x1e: {  	s18 =	simm.s32 $0x0;
	s19 =	simm.s32 $0x18000;
	s20 =	simm.s32 $0x0  }
.LBB2_4:
0x1f: {  	v3 =	vld [tilespmem:s19+$0x0];
	_ =	sdelay $0x4  }
0x20: {  	v4 =	vshll.u32 v3, $0x3  }
0x21: {  	v5 =	vadd.s32 v1, v3;
	v3 =	vand.u32 $0x7F, v3;
	v4 =	vand.u32 $0xFFFFFC00, v4  }
0x22: {  	v3 =	vor.u32 v3, v4;
	_ =	sdelay $0x3  }
0x23: {  	[tilespmem:v5+s11+$0x0] =	vst.idx.add.f32.msk $0xffff, v2  }
0x24: {  	v4 =	vld.idx.msk [tilespmem:v3+s3+$0x0], $0xffff  }
0x25: {  	v58 =	vor.u32 $0x80, v3;
	_ =	sdelay $0x1  }
0x26: {  	s21 =	sand.u32 $0x70, s20;
	s22 =	sand.u32 $0xC00, s18  }
0x27: {  	s21 =	sor.u32 s21, s22  }
0x28: {  	[tilespmem:s21+$0x10000] =	vst v4  }
0x29: {  	v4 =	vld.idx.msk [tilespmem:v58+s3+$0x0], $0xffff  }
0x2a: {  	v59 =	vor.u32 $0x100, v3;
	_ =	sdelay $0x3  }
0x2b: {  	[tilespmem:s21+$0x10080] =	vst v4  }
0x2c: {  	v4 =	vld.idx.msk [tilespmem:v59+s3+$0x0], $0xffff  }
0x2d: {  	v60 =	vor.u32 $0x180, v3;
	_ =	sdelay $0x3  }
0x2e: {  	[tilespmem:s21+$0x10100] =	vst v4  }
0x2f: {  	v4 =	vld.idx.msk [tilespmem:v60+s3+$0x0], $0xffff  }
0x30: {  	v61 =	vor.u32 $0x200, v3;
	_ =	sdelay $0x3  }
0x31: {  	[tilespmem:s21+$0x10180] =	vst v4  }
0x32: {  	v4 =	vld.idx.msk [tilespmem:v61+s3+$0x0], $0xffff  }
0x33: {  	v62 =	vor.u32 $0x280, v3;
	_ =	sdelay $0x3  }
0x34: {  	[tilespmem:s21+$0x10200] =	vst v4  }
0x35: {  	v4 =	vld.idx.msk [tilespmem:v62+s3+$0x0], $0xffff  }
0x36: {  	v63 =	vor.u32 $0x300, v3;
	_ =	sdelay $0x3  }
0x37: {  	[tilespmem:s21+$0x10280] =	vst v4  }
0x38: {  	v4 =	vld.idx.msk [tilespmem:v63+s3+$0x0], $0xffff  }
0x39: {  	v8 =	vor.u32 $0x380, v3;
	_ =	sdelay $0x3  }
0x3a: {  	[tilespmem:s21+$0x10300] =	vst v4  }
0x3b: {  	v4 =	vld.idx.msk [tilespmem:v8+s3+$0x0], $0xffff  }
0x3c: {  	v9 =	vadd.s32 $0x2000, v3;
	_ =	sdelay $0x1  }
0x3d: {  	s31 =	sor.u32 s18, s20  }
0x3e: {  	s22 =	sor.u32 $0x380, s31  }
0x3f: {  	[tilespmem:s22+$0x10000] =	vst v4  }
0x40: {  	v4 =	vld.idx.msk [tilespmem:v9+s3+$0x0], $0xffff  }
0x41: {  	v10 =	vadd.s32 $0x2080, v3;
	_ =	sdelay $0x3  }
0x42: {  	[tilespmem:s21+$0x11000] =	vst v4  }
0x43: {  	v4 =	vld.idx.msk [tilespmem:v10+s3+$0x0], $0xffff  }
0x44: {  	v11 =	vadd.s32 $0x2100, v3;
	_ =	sdelay $0x3  }
0x45: {  	[tilespmem:s21+$0x11080] =	vst v4  }
0x46: {  	v4 =	vld.idx.msk [tilespmem:v11+s3+$0x0], $0xffff  }
0x47: {  	v12 =	vadd.s32 $0x2180, v3;
	_ =	sdelay $0x3  }
0x48: {  	[tilespmem:s21+$0x11100] =	vst v4  }
0x49: {  	v4 =	vld.idx.msk [tilespmem:v12+s3+$0x0], $0xffff  }
0x4a: {  	v13 =	vadd.s32 $0x2200, v3;
	_ =	sdelay $0x3  }
0x4b: {  	[tilespmem:s21+$0x11180] =	vst v4  }
0x4c: {  	v4 =	vld.idx.msk [tilespmem:v13+s3+$0x0], $0xffff  }
0x4d: {  	v14 =	vadd.s32 $0x2280, v3;
	_ =	sdelay $0x3  }
0x4e: {  	[tilespmem:s21+$0x11200] =	vst v4  }
0x4f: {  	v4 =	vld.idx.msk [tilespmem:v14+s3+$0x0], $0xffff  }
0x50: {  	v15 =	vadd.s32 $0x2300, v3;
	_ =	sdelay $0x3  }
0x51: {  	[tilespmem:s21+$0x11280] =	vst v4  }
0x52: {  	v4 =	vld.idx.msk [tilespmem:v15+s3+$0x0], $0xffff  }
0x53: {  	v16 =	vadd.s32 $0x2380, v3;
	_ =	sdelay $0x3  }
0x54: {  	[tilespmem:s21+$0x11300] =	vst v4  }
0x55: {  	v4 =	vld.idx.msk [tilespmem:v16+s3+$0x0], $0xffff  }
0x56: {  	v17 =	vadd.s32 $0x4000, v3;
	_ =	sdelay $0x3  }
0x57: {  	[tilespmem:s21+$0x11380] =	vst v4  }
0x58: {  	v4 =	vld.idx.msk [tilespmem:v17+s3+$0x0], $0xffff  }
0x59: {  	v18 =	vadd.s32 $0x4080, v3;
	_ =	sdelay $0x3  }
0x5a: {  	[tilespmem:s21+$0x12000] =	vst v4  }
0x5b: {  	v4 =	vld.idx.msk [tilespmem:v18+s3+$0x0], $0xffff  }
0x5c: {  	v19 =	vadd.s32 $0x4100, v3;
	_ =	sdelay $0x3  }
0x5d: {  	[tilespmem:s21+$0x12080] =	vst v4  }
0x5e: {  	v4 =	vld.idx.msk [tilespmem:v19+s3+$0x0], $0xffff  }
0x5f: {  	v20 =	vadd.s32 $0x4180, v3;
	_ =	sdelay $0x3  }
0x60: {  	[tilespmem:s21+$0x12100] =	vst v4  }
0x61: {  	v4 =	vld.idx.msk [tilespmem:v20+s3+$0x0], $0xffff  }
0x62: {  	v21 =	vadd.s32 $0x4200, v3;
	_ =	sdelay $0x3  }
0x63: {  	[tilespmem:s21+$0x12180] =	vst v4  }
0x64: {  	v4 =	vld.idx.msk [tilespmem:v21+s3+$0x0], $0xffff  }
0x65: {  	v22 =	vadd.s32 $0x4280, v3;
	_ =	sdelay $0x3  }
0x66: {  	[tilespmem:s21+$0x12200] =	vst v4  }
0x67: {  	v4 =	vld.idx.msk [tilespmem:v22+s3+$0x0], $0xffff  }
0x68: {  	v23 =	vadd.s32 $0x4300, v3;
	_ =	sdelay $0x3  }
0x69: {  	[tilespmem:s21+$0x12280] =	vst v4  }
0x6a: {  	v4 =	vld.idx.msk [tilespmem:v23+s3+$0x0], $0xffff  }
0x6b: {  	v24 =	vadd.s32 $0x4380, v3;
	_ =	sdelay $0x3  }
0x6c: {  	[tilespmem:s21+$0x12300] =	vst v4  }
0x6d: {  	v4 =	vld.idx.msk [tilespmem:v24+s3+$0x0], $0xffff  }
0x6e: {  	v25 =	vadd.s32 $0x6000, v3;
	_ =	sdelay $0x3  }
0x6f: {  	[tilespmem:s21+$0x12380] =	vst v4  }
0x70: {  	v4 =	vld.idx.msk [tilespmem:v25+s3+$0x0], $0xffff  }
0x71: {  	v26 =	vadd.s32 $0x6080, v3;
	_ =	sdelay $0x3  }
0x72: {  	[tilespmem:s21+$0x13000] =	vst v4  }
0x73: {  	v4 =	vld.idx.msk [tilespmem:v26+s3+$0x0], $0xffff  }
0x74: {  	v27 =	vadd.s32 $0x6100, v3;
	_ =	sdelay $0x3  }
0x75: {  	[tilespmem:s21+$0x13080] =	vst v4  }
0x76: {  	v4 =	vld.idx.msk [tilespmem:v27+s3+$0x0], $0xffff  }
0x77: {  	v28 =	vadd.s32 $0x6180, v3;
	_ =	sdelay $0x3  }
0x78: {  	[tilespmem:s21+$0x13100] =	vst v4  }
0x79: {  	v4 =	vld.idx.msk [tilespmem:v28+s3+$0x0], $0xffff  }
0x7a: {  	v29 =	vadd.s32 $0x6200, v3;
	_ =	sdelay $0x3  }
0x7b: {  	[tilespmem:s21+$0x13180] =	vst v4  }
0x7c: {  	v4 =	vld.idx.msk [tilespmem:v29+s3+$0x0], $0xffff  }
0x7d: {  	v30 =	vadd.s32 $0x6280, v3;
	_ =	sdelay $0x3  }
0x7e: {  	[tilespmem:s21+$0x13200] =	vst v4  }
0x7f: {  	v4 =	vld.idx.msk [tilespmem:v30+s3+$0x0], $0xffff  }
0x80: {  	v31 =	vadd.s32 $0x6300, v3;
	_ =	sdelay $0x3  }
0x81: {  	[tilespmem:s21+$0x13280] =	vst v4  }
0x82: {  	v4 =	vld.idx.msk [tilespmem:v31+s3+$0x0], $0xffff  }
0x83: {  	v32 =	vadd.s32 $0x6380, v3;
	_ =	sdelay $0x3  }
0x84: {  	[tilespmem:s21+$0x13300] =	vst v4  }
0x85: {  	v4 =	vld.idx.msk [tilespmem:v32+s3+$0x0], $0xffff  }
0x86: {  	v33 =	vadd.s32 $0x8000, v3;
	_ =	sdelay $0x3  }
0x87: {  	[tilespmem:s21+$0x13380] =	vst v4  }
0x88: {  	v4 =	vld.idx.msk [tilespmem:v33+s3+$0x0], $0xffff  }
0x89: {  	v34 =	vadd.s32 $0x8080, v3;
	_ =	sdelay $0x3  }
0x8a: {  	[tilespmem:s21+$0x14000] =	vst v4  }
0x8b: {  	v4 =	vld.idx.msk [tilespmem:v34+s3+$0x0], $0xffff  }
0x8c: {  	v35 =	vadd.s32 $0x8100, v3;
	_ =	sdelay $0x3  }
0x8d: {  	[tilespmem:s21+$0x14080] =	vst v4  }
0x8e: {  	v4 =	vld.idx.msk [tilespmem:v35+s3+$0x0], $0xffff  }
0x8f: {  	v36 =	vadd.s32 $0x8180, v3;
	_ =	sdelay $0x3  }
0x90: {  	[tilespmem:s21+$0x14100] =	vst v4  }
0x91: {  	v4 =	vld.idx.msk [tilespmem:v36+s3+$0x0], $0xffff  }
0x92: {  	v37 =	vadd.s32 $0x8200, v3;
	_ =	sdelay $0x3  }
0x93: {  	[tilespmem:s21+$0x14180] =	vst v4  }
0x94: {  	v4 =	vld.idx.msk [tilespmem:v37+s3+$0x0], $0xffff  }
0x95: {  	v38 =	vadd.s32 $0x8280, v3;
	_ =	sdelay $0x3  }
0x96: {  	[tilespmem:s21+$0x14200] =	vst v4  }
0x97: {  	v4 =	vld.idx.msk [tilespmem:v38+s3+$0x0], $0xffff  }
0x98: {  	v39 =	vadd.s32 $0x8300, v3;
	_ =	sdelay $0x3  }
0x99: {  	[tilespmem:s21+$0x14280] =	vst v4  }
0x9a: {  	v4 =	vld.idx.msk [tilespmem:v39+s3+$0x0], $0xffff  }
0x9b: {  	v40 =	vadd.s32 $0x8380, v3;
	_ =	sdelay $0x3  }
0x9c: {  	[tilespmem:s21+$0x14300] =	vst v4  }
0x9d: {  	v4 =	vld.idx.msk [tilespmem:v40+s3+$0x0], $0xffff  }
0x9e: {  	v41 =	vadd.s32 $0xA000, v3;
	_ =	sdelay $0x3  }
0x9f: {  	[tilespmem:s21+$0x14380] =	vst v4  }
0xa0: {  	v4 =	vld.idx.msk [tilespmem:v41+s3+$0x0], $0xffff  }
0xa1: {  	v42 =	vadd.s32 $0xA080, v3;
	_ =	sdelay $0x3  }
0xa2: {  	[tilespmem:s21+$0x15000] =	vst v4  }
0xa3: {  	v4 =	vld.idx.msk [tilespmem:v42+s3+$0x0], $0xffff  }
0xa4: {  	v43 =	vadd.s32 $0xA100, v3;
	_ =	sdelay $0x3  }
0xa5: {  	[tilespmem:s21+$0x15080] =	vst v4  }
0xa6: {  	v4 =	vld.idx.msk [tilespmem:v43+s3+$0x0], $0xffff  }
0xa7: {  	v44 =	vadd.s32 $0xA180, v3;
	_ =	sdelay $0x3  }
0xa8: {  	[tilespmem:s21+$0x15100] =	vst v4  }
0xa9: {  	v4 =	vld.idx.msk [tilespmem:v44+s3+$0x0], $0xffff  }
0xaa: {  	v45 =	vadd.s32 $0xA200, v3;
	_ =	sdelay $0x3  }
0xab: {  	[tilespmem:s21+$0x15180] =	vst v4  }
0xac: {  	v4 =	vld.idx.msk [tilespmem:v45+s3+$0x0], $0xffff  }
0xad: {  	v46 =	vadd.s32 $0xA280, v3;
	_ =	sdelay $0x3  }
0xae: {  	[tilespmem:s21+$0x15200] =	vst v4  }
0xaf: {  	v4 =	vld.idx.msk [tilespmem:v46+s3+$0x0], $0xffff  }
0xb0: {  	v47 =	vadd.s32 $0xA300, v3;
	_ =	sdelay $0x3  }
0xb1: {  	[tilespmem:s21+$0x15280] =	vst v4  }
0xb2: {  	v4 =	vld.idx.msk [tilespmem:v47+s3+$0x0], $0xffff  }
0xb3: {  	v48 =	vadd.s32 $0xA380, v3;
	_ =	sdelay $0x3  }
0xb4: {  	[tilespmem:s21+$0x15300] =	vst v4  }
0xb5: {  	v4 =	vld.idx.msk [tilespmem:v48+s3+$0x0], $0xffff  }
0xb6: {  	v49 =	vadd.s32 $0xC000, v3;
	_ =	sdelay $0x3  }
0xb7: {  	[tilespmem:s21+$0x15380] =	vst v4  }
0xb8: {  	v4 =	vld.idx.msk [tilespmem:v49+s3+$0x0], $0xffff  }
0xb9: {  	v50 =	vadd.s32 $0xC080, v3;
	_ =	sdelay $0x3  }
0xba: {  	[tilespmem:s21+$0x16000] =	vst v4  }
0xbb: {  	v4 =	vld.idx.msk [tilespmem:v50+s3+$0x0], $0xffff  }
0xbc: {  	v51 =	vadd.s32 $0xC100, v3;
	_ =	sdelay $0x3  }
0xbd: {  	[tilespmem:s21+$0x16080] =	vst v4  }
0xbe: {  	v4 =	vld.idx.msk [tilespmem:v51+s3+$0x0], $0xffff  }
0xbf: {  	v52 =	vadd.s32 $0xC180, v3;
	_ =	sdelay $0x3  }
0xc0: {  	[tilespmem:s21+$0x16100] =	vst v4  }
0xc1: {  	v4 =	vld.idx.msk [tilespmem:v52+s3+$0x0], $0xffff  }
0xc2: {  	v53 =	vadd.s32 $0xC200, v3;
	_ =	sdelay $0x3  }
0xc3: {  	[tilespmem:s21+$0x16180] =	vst v4  }
0xc4: {  	v4 =	vld.idx.msk [tilespmem:v53+s3+$0x0], $0xffff  }
0xc5: {  	v54 =	vadd.s32 $0xC280, v3;
	_ =	sdelay $0x3  }
0xc6: {  	[tilespmem:s21+$0x16200] =	vst v4  }
0xc7: {  	v4 =	vld.idx.msk [tilespmem:v54+s3+$0x0], $0xffff  }
0xc8: {  	v55 =	vadd.s32 $0xC300, v3;
	_ =	sdelay $0x3  }
0xc9: {  	[tilespmem:s21+$0x16280] =	vst v4  }
0xca: {  	v4 =	vld.idx.msk [tilespmem:v55+s3+$0x0], $0xffff  }
0xcb: {  	v56 =	vadd.s32 $0xC380, v3;
	_ =	sdelay $0x3  }
0xcc: {  	[tilespmem:s21+$0x16300] =	vst v4  }
0xcd: {  	v4 =	vld.idx.msk [tilespmem:v56+s3+$0x0], $0xffff  }
0xce: {  	v57 =	vadd.s32 $0xE000, v3;
	_ =	sdelay $0x3  }
0xcf: {  	[tilespmem:s21+$0x16380] =	vst v4  }
0xd0: {  	v4 =	vld.idx.msk [tilespmem:v57+s3+$0x0], $0xffff  }
0xd1: {  	v58 =	vadd.s32 $0xE080, v3;
	_ =	sdelay $0x3  }
0xd2: {  	[tilespmem:s21+$0x17000] =	vst v4  }
0xd3: {  	v4 =	vld.idx.msk [tilespmem:v58+s3+$0x0], $0xffff  }
0xd4: {  	v59 =	vadd.s32 $0xE100, v3;
	_ =	sdelay $0x3  }
0xd5: {  	[tilespmem:s21+$0x17080] =	vst v4  }
0xd6: {  	v4 =	vld.idx.msk [tilespmem:v59+s3+$0x0], $0xffff  }
0xd7: {  	v60 =	vadd.s32 $0xE180, v3;
	_ =	sdelay $0x3  }
0xd8: {  	[tilespmem:s21+$0x17100] =	vst v4  }
0xd9: {  	v4 =	vld.idx.msk [tilespmem:v60+s3+$0x0], $0xffff  }
0xda: {  	v61 =	vadd.s32 $0xE200, v3;
	_ =	sdelay $0x3  }
0xdb: {  	[tilespmem:s21+$0x17180] =	vst v4  }
0xdc: {  	v4 =	vld.idx.msk [tilespmem:v61+s3+$0x0], $0xffff  }
0xdd: {  	v62 =	vadd.s32 $0xE280, v3;
	_ =	sdelay $0x3  }
0xde: {  	[tilespmem:s21+$0x17200] =	vst v4  }
0xdf: {  	v4 =	vld.idx.msk [tilespmem:v62+s3+$0x0], $0xffff  }
0xe0: {  	v63 =	vadd.s32 $0xE300, v3;
	_ =	sdelay $0x3  }
0xe1: {  	[tilespmem:s21+$0x17280] =	vst v4  }
0xe2: {  	v4 =	vld.idx.msk [tilespmem:v63+s3+$0x0], $0xffff  }
0xe3: {  	v3 =	vadd.s32 $0xE380, v3;
	_ =	sdelay $0x3  }
0xe4: {  	[tilespmem:s21+$0x17300] =	vst v4  }
0xe5: {  	p0 =	sne.s32 s20, $0x1F0;
	v3 =	vld.idx.msk [tilespmem:v3+s3+$0x0], $0xffff  }
.Ltmp1:
0xe6: {  	_ = 	snop;
	(pc) =	sbr.rel @p0 .LBB2_4-.Ltmp1, $2  }
0xe7: {  	_ =	sdelay $0x2  }
0xe8: {  	s18 =	sadd.s32 $0x80, s18;
	s19 =	sadd.s32 $0x10, s19;
	s20 =	sadd.s32 $0x10, s20;
	[tilespmem:s21+$0x17380] =	vst v3  }
0xe9: {  	[hbm4b:s5+s12] =	stream.strided.scatter [tilespmem:s13], [sflag:$0x1], $0x8000, s13, s12, $0x38;
	[tilespmem:$0x1C800] =	vst v63  }
0xea: {  	_ =	swait.ge [sflag:s9], $0x8000  }
0xeb: {  	[sflag:s9] =	ssyncset.done $0x0  }
0xec: {  	s18 =	simm.s32 $0x0;
	s19 =	simm.s32 $0x0;
	[sflag:s9] =	ssyncadd.s32 $0xFFFF8000  }
.LBB2_6:
0xed: {  	s20 =	sand.u32 $0x1F0, s19  }
0xee: {  	v3 =	vld [tilespmem:s20+$0x18200];
	_ =	sdelay $0x4  }
0xef: {  	v4 =	vshll.u32 v3, $0x3  }
0xf0: {  	v5 =	vadd.s32 v1, v3;
	v3 =	vand.u32 $0x7F, v3;
	v4 =	vand.u32 $0xFFFFFC00, v4  }
0xf1: {  	v3 =	vor.u32 v3, v4;
	_ =	sdelay $0x3  }
0xf2: {  	[tilespmem:v5+s11+$0x0] =	vst.idx.add.f32.msk $0xffff, v2  }
0xf3: {  	v4 =	vld.idx.msk [tilespmem:v3+s3+$0x0], $0xffff  }
0xf4: {  	v58 =	vor.u32 $0x80, v3;
	_ =	sdelay $0x1  }
0xf5: {  	s30 =	sand.u32 $0x70, s19;
	s21 =	sand.u32 $0xC00, s18  }
0xf6: {  	s20 =	sor.u32 s30, s21  }
0xf7: {  	[tilespmem:s20+$0x10000] =	vst v4  }
0xf8: {  	v4 =	vld.idx.msk [tilespmem:v58+s3+$0x0], $0xffff  }
0xf9: {  	v59 =	vor.u32 $0x100, v3;
	_ =	sdelay $0x3  }
0xfa: {  	[tilespmem:s20+$0x10080] =	vst v4  }
0xfb: {  	v4 =	vld.idx.msk [tilespmem:v59+s3+$0x0], $0xffff  }
0xfc: {  	v60 =	vor.u32 $0x180, v3;
	_ =	sdelay $0x3  }
0xfd: {  	[tilespmem:s20+$0x10100] =	vst v4  }
0xfe: {  	v4 =	vld.idx.msk [tilespmem:v60+s3+$0x0], $0xffff  }
0xff: {  	v61 =	vor.u32 $0x200, v3;
	_ =	sdelay $0x3  }
0x100: {  	[tilespmem:s20+$0x10180] =	vst v4  }
0x101: {  	v4 =	vld.idx.msk [tilespmem:v61+s3+$0x0], $0xffff  }
0x102: {  	v62 =	vor.u32 $0x280, v3;
	_ =	sdelay $0x3  }
0x103: {  	[tilespmem:s20+$0x10200] =	vst v4  }
0x104: {  	v4 =	vld.idx.msk [tilespmem:v62+s3+$0x0], $0xffff  }
0x105: {  	v63 =	vor.u32 $0x300, v3;
	_ =	sdelay $0x3  }
0x106: {  	[tilespmem:s20+$0x10280] =	vst v4  }
0x107: {  	v4 =	vld.idx.msk [tilespmem:v63+s3+$0x0], $0xffff  }
0x108: {  	v8 =	vor.u32 $0x380, v3;
	_ =	sdelay $0x3  }
0x109: {  	[tilespmem:s20+$0x10300] =	vst v4  }
0x10a: {  	v4 =	vld.idx.msk [tilespmem:v8+s3+$0x0], $0xffff  }
0x10b: {  	v9 =	vadd.s32 $0x2000, v3;
	_ =	sdelay $0x1  }
0x10c: {  	s31 =	sor.u32 s18, s19  }
0x10d: {  	s21 =	sor.u32 $0x380, s31  }
0x10e: {  	[tilespmem:s21+$0x10000] =	vst v4  }
0x10f: {  	v4 =	vld.idx.msk [tilespmem:v9+s3+$0x0], $0xffff  }
0x110: {  	v10 =	vadd.s32 $0x2080, v3;
	_ =	sdelay $0x3  }
0x111: {  	[tilespmem:s20+$0x11000] =	vst v4  }
0x112: {  	v4 =	vld.idx.msk [tilespmem:v10+s3+$0x0], $0xffff  }
0x113: {  	v11 =	vadd.s32 $0x2100, v3;
	_ =	sdelay $0x3  }
0x114: {  	[tilespmem:s20+$0x11080] =	vst v4  }
0x115: {  	v4 =	vld.idx.msk [tilespmem:v11+s3+$0x0], $0xffff  }
0x116: {  	v12 =	vadd.s32 $0x2180, v3;
	_ =	sdelay $0x3  }
0x117: {  	[tilespmem:s20+$0x11100] =	vst v4  }
0x118: {  	v4 =	vld.idx.msk [tilespmem:v12+s3+$0x0], $0xffff  }
0x119: {  	v13 =	vadd.s32 $0x2200, v3;
	_ =	sdelay $0x3  }
0x11a: {  	[tilespmem:s20+$0x11180] =	vst v4  }
0x11b: {  	v4 =	vld.idx.msk [tilespmem:v13+s3+$0x0], $0xffff  }
0x11c: {  	v14 =	vadd.s32 $0x2280, v3;
	_ =	sdelay $0x3  }
0x11d: {  	[tilespmem:s20+$0x11200] =	vst v4  }
0x11e: {  	v4 =	vld.idx.msk [tilespmem:v14+s3+$0x0], $0xffff  }
0x11f: {  	v15 =	vadd.s32 $0x2300, v3;
	_ =	sdelay $0x3  }
0x120: {  	[tilespmem:s20+$0x11280] =	vst v4  }
0x121: {  	v4 =	vld.idx.msk [tilespmem:v15+s3+$0x0], $0xffff  }
0x122: {  	v16 =	vadd.s32 $0x2380, v3;
	_ =	sdelay $0x3  }
0x123: {  	[tilespmem:s20+$0x11300] =	vst v4  }
0x124: {  	v4 =	vld.idx.msk [tilespmem:v16+s3+$0x0], $0xffff  }
0x125: {  	v17 =	vadd.s32 $0x4000, v3;
	_ =	sdelay $0x3  }
0x126: {  	[tilespmem:s20+$0x11380] =	vst v4  }
0x127: {  	v4 =	vld.idx.msk [tilespmem:v17+s3+$0x0], $0xffff  }
0x128: {  	v18 =	vadd.s32 $0x4080, v3;
	_ =	sdelay $0x3  }
0x129: {  	[tilespmem:s20+$0x12000] =	vst v4  }
0x12a: {  	v4 =	vld.idx.msk [tilespmem:v18+s3+$0x0], $0xffff  }
0x12b: {  	v19 =	vadd.s32 $0x4100, v3;
	_ =	sdelay $0x3  }
0x12c: {  	[tilespmem:s20+$0x12080] =	vst v4  }
0x12d: {  	v4 =	vld.idx.msk [tilespmem:v19+s3+$0x0], $0xffff  }
0x12e: {  	v20 =	vadd.s32 $0x4180, v3;
	_ =	sdelay $0x3  }
0x12f: {  	[tilespmem:s20+$0x12100] =	vst v4  }
0x130: {  	v4 =	vld.idx.msk [tilespmem:v20+s3+$0x0], $0xffff  }
0x131: {  	v21 =	vadd.s32 $0x4200, v3;
	_ =	sdelay $0x3  }
0x132: {  	[tilespmem:s20+$0x12180] =	vst v4  }
0x133: {  	v4 =	vld.idx.msk [tilespmem:v21+s3+$0x0], $0xffff  }
0x134: {  	v22 =	vadd.s32 $0x4280, v3;
	_ =	sdelay $0x3  }
0x135: {  	[tilespmem:s20+$0x12200] =	vst v4  }
0x136: {  	v4 =	vld.idx.msk [tilespmem:v22+s3+$0x0], $0xffff  }
0x137: {  	v23 =	vadd.s32 $0x4300, v3;
	_ =	sdelay $0x3  }
0x138: {  	[tilespmem:s20+$0x12280] =	vst v4  }
0x139: {  	v4 =	vld.idx.msk [tilespmem:v23+s3+$0x0], $0xffff  }
0x13a: {  	v24 =	vadd.s32 $0x4380, v3;
	_ =	sdelay $0x3  }
0x13b: {  	[tilespmem:s20+$0x12300] =	vst v4  }
0x13c: {  	v4 =	vld.idx.msk [tilespmem:v24+s3+$0x0], $0xffff  }
0x13d: {  	v25 =	vadd.s32 $0x6000, v3;
	_ =	sdelay $0x3  }
0x13e: {  	[tilespmem:s20+$0x12380] =	vst v4  }
0x13f: {  	v4 =	vld.idx.msk [tilespmem:v25+s3+$0x0], $0xffff  }
0x140: {  	v26 =	vadd.s32 $0x6080, v3;
	_ =	sdelay $0x3  }
0x141: {  	[tilespmem:s20+$0x13000] =	vst v4  }
0x142: {  	v4 =	vld.idx.msk [tilespmem:v26+s3+$0x0], $0xffff  }
0x143: {  	v27 =	vadd.s32 $0x6100, v3;
	_ =	sdelay $0x3  }
0x144: {  	[tilespmem:s20+$0x13080] =	vst v4  }
0x145: {  	v4 =	vld.idx.msk [tilespmem:v27+s3+$0x0], $0xffff  }
0x146: {  	v28 =	vadd.s32 $0x6180, v3;
	_ =	sdelay $0x3  }
0x147: {  	[tilespmem:s20+$0x13100] =	vst v4  }
0x148: {  	v4 =	vld.idx.msk [tilespmem:v28+s3+$0x0], $0xffff  }
0x149: {  	v29 =	vadd.s32 $0x6200, v3;
	_ =	sdelay $0x3  }
0x14a: {  	[tilespmem:s20+$0x13180] =	vst v4  }
0x14b: {  	v4 =	vld.idx.msk [tilespmem:v29+s3+$0x0], $0xffff  }
0x14c: {  	v30 =	vadd.s32 $0x6280, v3;
	_ =	sdelay $0x3  }
0x14d: {  	[tilespmem:s20+$0x13200] =	vst v4  }
0x14e: {  	v4 =	vld.idx.msk [tilespmem:v30+s3+$0x0], $0xffff  }
0x14f: {  	v31 =	vadd.s32 $0x6300, v3;
	_ =	sdelay $0x3  }
0x150: {  	[tilespmem:s20+$0x13280] =	vst v4  }
0x151: {  	v4 =	vld.idx.msk [tilespmem:v31+s3+$0x0], $0xffff  }
0x152: {  	v32 =	vadd.s32 $0x6380, v3;
	_ =	sdelay $0x3  }
0x153: {  	[tilespmem:s20+$0x13300] =	vst v4  }
0x154: {  	v4 =	vld.idx.msk [tilespmem:v32+s3+$0x0], $0xffff  }
0x155: {  	v33 =	vadd.s32 $0x8000, v3;
	_ =	sdelay $0x3  }
0x156: {  	[tilespmem:s20+$0x13380] =	vst v4  }
0x157: {  	v4 =	vld.idx.msk [tilespmem:v33+s3+$0x0], $0xffff  }
0x158: {  	v34 =	vadd.s32 $0x8080, v3;
	_ =	sdelay $0x3  }
0x159: {  	[tilespmem:s20+$0x14000] =	vst v4  }
0x15a: {  	v4 =	vld.idx.msk [tilespmem:v34+s3+$0x0], $0xffff  }
0x15b: {  	v35 =	vadd.s32 $0x8100, v3;
	_ =	sdelay $0x3  }
0x15c: {  	[tilespmem:s20+$0x14080] =	vst v4  }
0x15d: {  	v4 =	vld.idx.msk [tilespmem:v35+s3+$0x0], $0xffff  }
0x15e: {  	v36 =	vadd.s32 $0x8180, v3;
	_ =	sdelay $0x3  }
0x15f: {  	[tilespmem:s20+$0x14100] =	vst v4  }
0x160: {  	v4 =	vld.idx.msk [tilespmem:v36+s3+$0x0], $0xffff  }
0x161: {  	v37 =	vadd.s32 $0x8200, v3;
	_ =	sdelay $0x3  }
0x162: {  	[tilespmem:s20+$0x14180] =	vst v4  }
0x163: {  	v4 =	vld.idx.msk [tilespmem:v37+s3+$0x0], $0xffff  }
0x164: {  	v38 =	vadd.s32 $0x8280, v3;
	_ =	sdelay $0x3  }
0x165: {  	[tilespmem:s20+$0x14200] =	vst v4  }
0x166: {  	v4 =	vld.idx.msk [tilespmem:v38+s3+$0x0], $0xffff  }
0x167: {  	v39 =	vadd.s32 $0x8300, v3;
	_ =	sdelay $0x3  }
0x168: {  	[tilespmem:s20+$0x14280] =	vst v4  }
0x169: {  	v4 =	vld.idx.msk [tilespmem:v39+s3+$0x0], $0xffff  }
0x16a: {  	v40 =	vadd.s32 $0x8380, v3;
	_ =	sdelay $0x3  }
0x16b: {  	[tilespmem:s20+$0x14300] =	vst v4  }
0x16c: {  	v4 =	vld.idx.msk [tilespmem:v40+s3+$0x0], $0xffff  }
0x16d: {  	v41 =	vadd.s32 $0xA000, v3;
	_ =	sdelay $0x3  }
0x16e: {  	[tilespmem:s20+$0x14380] =	vst v4  }
0x16f: {  	v4 =	vld.idx.msk [tilespmem:v41+s3+$0x0], $0xffff  }
0x170: {  	v42 =	vadd.s32 $0xA080, v3;
	_ =	sdelay $0x3  }
0x171: {  	[tilespmem:s20+$0x15000] =	vst v4  }
0x172: {  	v4 =	vld.idx.msk [tilespmem:v42+s3+$0x0], $0xffff  }
0x173: {  	v43 =	vadd.s32 $0xA100, v3;
	_ =	sdelay $0x3  }
0x174: {  	[tilespmem:s20+$0x15080] =	vst v4  }
0x175: {  	v4 =	vld.idx.msk [tilespmem:v43+s3+$0x0], $0xffff  }
0x176: {  	v44 =	vadd.s32 $0xA180, v3;
	_ =	sdelay $0x3  }
0x177: {  	[tilespmem:s20+$0x15100] =	vst v4  }
0x178: {  	v4 =	vld.idx.msk [tilespmem:v44+s3+$0x0], $0xffff  }
0x179: {  	v45 =	vadd.s32 $0xA200, v3;
	_ =	sdelay $0x3  }
0x17a: {  	[tilespmem:s20+$0x15180] =	vst v4  }
0x17b: {  	v4 =	vld.idx.msk [tilespmem:v45+s3+$0x0], $0xffff  }
0x17c: {  	v46 =	vadd.s32 $0xA280, v3;
	_ =	sdelay $0x3  }
0x17d: {  	[tilespmem:s20+$0x15200] =	vst v4  }
0x17e: {  	v4 =	vld.idx.msk [tilespmem:v46+s3+$0x0], $0xffff  }
0x17f: {  	v47 =	vadd.s32 $0xA300, v3;
	_ =	sdelay $0x3  }
0x180: {  	[tilespmem:s20+$0x15280] =	vst v4  }
0x181: {  	v4 =	vld.idx.msk [tilespmem:v47+s3+$0x0], $0xffff  }
0x182: {  	v48 =	vadd.s32 $0xA380, v3;
	_ =	sdelay $0x3  }
0x183: {  	[tilespmem:s20+$0x15300] =	vst v4  }
0x184: {  	v4 =	vld.idx.msk [tilespmem:v48+s3+$0x0], $0xffff  }
0x185: {  	v49 =	vadd.s32 $0xC000, v3;
	_ =	sdelay $0x3  }
0x186: {  	[tilespmem:s20+$0x15380] =	vst v4  }
0x187: {  	v4 =	vld.idx.msk [tilespmem:v49+s3+$0x0], $0xffff  }
0x188: {  	v50 =	vadd.s32 $0xC080, v3;
	_ =	sdelay $0x3  }
0x189: {  	[tilespmem:s20+$0x16000] =	vst v4  }
0x18a: {  	v4 =	vld.idx.msk [tilespmem:v50+s3+$0x0], $0xffff  }
0x18b: {  	v51 =	vadd.s32 $0xC100, v3;
	_ =	sdelay $0x3  }
0x18c: {  	[tilespmem:s20+$0x16080] =	vst v4  }
0x18d: {  	v4 =	vld.idx.msk [tilespmem:v51+s3+$0x0], $0xffff  }
0x18e: {  	v52 =	vadd.s32 $0xC180, v3;
	_ =	sdelay $0x3  }
0x18f: {  	[tilespmem:s20+$0x16100] =	vst v4  }
0x190: {  	v4 =	vld.idx.msk [tilespmem:v52+s3+$0x0], $0xffff  }
0x191: {  	v53 =	vadd.s32 $0xC200, v3;
	_ =	sdelay $0x3  }
0x192: {  	[tilespmem:s20+$0x16180] =	vst v4  }
0x193: {  	v4 =	vld.idx.msk [tilespmem:v53+s3+$0x0], $0xffff  }
0x194: {  	v54 =	vadd.s32 $0xC280, v3;
	_ =	sdelay $0x3  }
0x195: {  	[tilespmem:s20+$0x16200] =	vst v4  }
0x196: {  	v4 =	vld.idx.msk [tilespmem:v54+s3+$0x0], $0xffff  }
0x197: {  	v55 =	vadd.s32 $0xC300, v3;
	_ =	sdelay $0x3  }
0x198: {  	[tilespmem:s20+$0x16280] =	vst v4  }
0x199: {  	v4 =	vld.idx.msk [tilespmem:v55+s3+$0x0], $0xffff  }
0x19a: {  	v56 =	vadd.s32 $0xC380, v3;
	_ =	sdelay $0x3  }
0x19b: {  	[tilespmem:s20+$0x16300] =	vst v4  }
0x19c: {  	v4 =	vld.idx.msk [tilespmem:v56+s3+$0x0], $0xffff  }
0x19d: {  	v57 =	vadd.s32 $0xE000, v3;
	_ =	sdelay $0x3  }
0x19e: {  	[tilespmem:s20+$0x16380] =	vst v4  }
0x19f: {  	v4 =	vld.idx.msk [tilespmem:v57+s3+$0x0], $0xffff  }
0x1a0: {  	v58 =	vadd.s32 $0xE080, v3;
	_ =	sdelay $0x3  }
0x1a1: {  	[tilespmem:s20+$0x17000] =	vst v4  }
0x1a2: {  	v4 =	vld.idx.msk [tilespmem:v58+s3+$0x0], $0xffff  }
0x1a3: {  	v59 =	vadd.s32 $0xE100, v3;
	_ =	sdelay $0x3  }
0x1a4: {  	[tilespmem:s20+$0x17080] =	vst v4  }
0x1a5: {  	v4 =	vld.idx.msk [tilespmem:v59+s3+$0x0], $0xffff  }
0x1a6: {  	v60 =	vadd.s32 $0xE180, v3;
	_ =	sdelay $0x3  }
0x1a7: {  	[tilespmem:s20+$0x17100] =	vst v4  }
0x1a8: {  	v4 =	vld.idx.msk [tilespmem:v60+s3+$0x0], $0xffff  }
0x1a9: {  	v61 =	vadd.s32 $0xE200, v3;
	_ =	sdelay $0x3  }
0x1aa: {  	[tilespmem:s20+$0x17180] =	vst v4  }
0x1ab: {  	v4 =	vld.idx.msk [tilespmem:v61+s3+$0x0], $0xffff  }
0x1ac: {  	v62 =	vadd.s32 $0xE280, v3;
	_ =	sdelay $0x3  }
0x1ad: {  	[tilespmem:s20+$0x17200] =	vst v4  }
0x1ae: {  	v4 =	vld.idx.msk [tilespmem:v62+s3+$0x0], $0xffff  }
0x1af: {  	v63 =	vadd.s32 $0xE300, v3;
	_ =	sdelay $0x3  }
0x1b0: {  	[tilespmem:s20+$0x17280] =	vst v4  }
0x1b1: {  	v4 =	vld.idx.msk [tilespmem:v63+s3+$0x0], $0xffff  }
0x1b2: {  	v3 =	vadd.s32 $0xE380, v3;
	_ =	sdelay $0x3  }
0x1b3: {  	[tilespmem:s20+$0x17300] =	vst v4  }
0x1b4: {  	p0 =	sne.s32 s19, $0x1F0;
	v3 =	vld.idx.msk [tilespmem:v3+s3+$0x0], $0xffff  }
.Ltmp2:
0x1b5: {  	_ = 	snop;
	(pc) =	sbr.rel @p0 .LBB2_6-.Ltmp2, $2  }
0x1b6: {  	_ =	sdelay $0x2  }
0x1b7: {  	s18 =	sadd.s32 $0x80, s18;
	s19 =	sadd.s32 $0x10, s19;
	[tilespmem:s20+$0x17380] =	vst v3  }
0x1b8: {  	[hbm4b:s6+s12] =	stream.strided.scatter [tilespmem:s13], [sflag:$0x1], $0x8000, s13, s12, $0x38;
	[tilespmem:$0x1C800] =	vst v63  }
0x1b9: {  	_ =	swait.ge [sflag:s9], $0x8000  }
0x1ba: {  	[sflag:s9] =	ssyncset.done $0x0  }
0x1bb: {  	s18 =	simm.s32 $0x18400;
	[sflag:s9] =	ssyncadd.s32 $0xFFFF8000  }
0x1bc: {  	s19 =	simm.s32 $0x0;
	v3 =	vld [tilespmem:s18+$0x0]  }
0x1bd: {  	s31 =	sand.u32 $0x3F0, s19  }
0x1be: {  	v4 =	vld [tilespmem:s31+$0x18800];
	_ =	sdelay $0x1  }
0x1bf: {  	v5 =	vld [tilespmem:s31+$0x18C00]  }
0x1c0: {  	v3 =	vadd.f32 $0.0e+00, v3  }
0x1c1: {  	v6 =	vld [tilespmem:s31+$0x19000]  }
0x1c2: {  	v3 =	vadd.f32 v4, v3  }
0x1c3: {  	v4 =	vld [tilespmem:s31+$0x19400]  }
0x1c4: {  	v3 =	vadd.f32 v5, v3  }
0x1c5: {  	v5 =	vld [tilespmem:s31+$0x19800]  }
0x1c6: {  	v3 =	vadd.f32 v6, v3  }
0x1c7: {  	v60 =	vld [tilespmem:s31+$0x19C00]  }
0x1c8: {  	v3 =	vadd.f32 v4, v3  }
0x1c9: {  	v4 =	vld [tilespmem:s31+$0x1A000]  }
0x1ca: {  	v3 =	vadd.f32 v5, v3  }
0x1cb: {  	v5 =	vld [tilespmem:s31+$0x1A400]  }
0x1cc: {  	v3 =	vadd.f32 v60, v3  }
0x1cd: {  	v61 =	vld [tilespmem:s31+$0x1A800]  }
0x1ce: {  	v3 =	vadd.f32 v4, v3  }
0x1cf: {  	v4 =	vld [tilespmem:s31+$0x1AC00]  }
0x1d0: {  	v3 =	vadd.f32 v5, v3  }
0x1d1: {  	v5 =	vld [tilespmem:s31+$0x1B000]  }
0x1d2: {  	v3 =	vadd.f32 v61, v3  }
0x1d3: {  	v62 =	vld [tilespmem:s31+$0x1B400]  }
0x1d4: {  	v3 =	vadd.f32 v4, v3  }
0x1d5: {  	v4 =	vld [tilespmem:s31+$0x1B800]  }
0x1d6: {  	v3 =	vadd.f32 v5, v3  }
0x1d7: {  	v5 =	vld [tilespmem:s31+$0x1BC00]  }
0x1d8: {  	v3 =	vadd.f32 v62, v3  }
0x1d9: {  	v63 =	vld [tilespmem:s31+$0x1C000]  }
0x1da: {  	v3 =	vadd.f32 v4, v3;
	_ =	sdelay $0x1  }
0x1db: {  	v3 =	vadd.f32 v5, v3;
	_ =	sdelay $0x1  }
0x1dc: {  	v3 =	vadd.f32 v63, v3  }
0x1dd: {  	s18 =	simm.s32 $0x1C400  }
0x1de: {  	s19 =	simm.s32 $0x18410;
	[tilespmem:s18+$0x0] =	vst v3  }
0x1df: {  	s20 =	simm.s32 $0x10;
	s21 =	simm.s32 $0x20;
	v3 =	vld [tilespmem:s19+$0x0]  }
.LBB2_8:
0x1e0: {  	p0 =	sne.s32 s21, $0x3F0;
	s22 =	sand.u32 $0x3F0, s20;
	s20 =	smov.u32 s21  }
0x1e1: {  	v4 =	vld [tilespmem:s22+$0x18800];
	_ =	sdelay $0x1  }
0x1e2: {  	v5 =	vld [tilespmem:s22+$0x18C00]  }
0x1e3: {  	v3 =	vadd.f32 $0.0e+00, v3  }
0x1e4: {  	v6 =	vld [tilespmem:s22+$0x19000]  }
0x1e5: {  	v3 =	vadd.f32 v4, v3  }
0x1e6: {  	v4 =	vld [tilespmem:s22+$0x19400]  }
0x1e7: {  	v3 =	vadd.f32 v5, v3  }
0x1e8: {  	v5 =	vld [tilespmem:s22+$0x19800]  }
0x1e9: {  	v3 =	vadd.f32 v6, v3  }
0x1ea: {  	v6 =	vld [tilespmem:s22+$0x19C00]  }
0x1eb: {  	v3 =	vadd.f32 v4, v3  }
0x1ec: {  	v4 =	vld [tilespmem:s22+$0x1A000]  }
0x1ed: {  	v3 =	vadd.f32 v5, v3  }
0x1ee: {  	v5 =	vld [tilespmem:s22+$0x1A400]  }
0x1ef: {  	v3 =	vadd.f32 v6, v3  }
0x1f0: {  	v6 =	vld [tilespmem:s22+$0x1A800]  }
0x1f1: {  	v3 =	vadd.f32 v4, v3  }
0x1f2: {  	v4 =	vld [tilespmem:s22+$0x1AC00]  }
0x1f3: {  	v3 =	vadd.f32 v5, v3  }
0x1f4: {  	v5 =	vld [tilespmem:s22+$0x1B000]  }
0x1f5: {  	v3 =	vadd.f32 v6, v3  }
0x1f6: {  	v6 =	vld [tilespmem:s22+$0x1B400]  }
0x1f7: {  	v3 =	vadd.f32 v4, v3  }
0x1f8: {  	v4 =	vld [tilespmem:s22+$0x1B800]  }
0x1f9: {  	v3 =	vadd.f32 v5, v3  }
0x1fa: {  	v5 =	vld [tilespmem:s22+$0x1BC00]  }
0x1fb: {  	v3 =	vadd.f32 v6, v3  }
0x1fc: {  	v6 =	vld [tilespmem:s22+$0x1C000]  }
0x1fd: {  	v3 =	vadd.f32 v4, v3;
	_ =	sdelay $0x1  }
0x1fe: {  	v3 =	vadd.f32 v5, v3  }
.Ltmp3:
0x1ff: {  	(pc) =	sbr.rel @p0 .LBB2_8-.Ltmp3, $4  }
0x200: {  	v3 =	vadd.f32 v6, v3  }
0x201: {  	s18 =	sadd.s32 $0x10, s18  }
0x202: {  	s19 =	sadd.s32 $0x10, s19;
	[tilespmem:s18+$0x0] =	vst v3  }
0x203: {  	s21 =	sadd.s32 $0x10, s21;
	v3 =	vld [tilespmem:s19+$0x0]  }
0x204: {  	s19 =	sand.u32 $0x3F0, s20  }
0x205: {  	v4 =	vld [tilespmem:s19+$0x18800];
	_ =	sdelay $0x1  }
0x206: {  	v5 =	vld [tilespmem:s19+$0x18C00]  }
0x207: {  	v3 =	vadd.f32 $0.0e+00, v3  }
0x208: {  	v6 =	vld [tilespmem:s19+$0x19000]  }
0x209: {  	v3 =	vadd.f32 v4, v3  }
0x20a: {  	v52 =	vld [tilespmem:s19+$0x19400]  }
0x20b: {  	v3 =	vadd.f32 v5, v3  }
0x20c: {  	v53 =	vld [tilespmem:s19+$0x19800]  }
0x20d: {  	v3 =	vadd.f32 v6, v3  }
0x20e: {  	v54 =	vld [tilespmem:s19+$0x19C00]  }
0x20f: {  	v3 =	vadd.f32 v52, v3  }
0x210: {  	v55 =	vld [tilespmem:s19+$0x1A000]  }
0x211: {  	v3 =	vadd.f32 v53, v3  }
0x212: {  	v56 =	vld [tilespmem:s19+$0x1A400]  }
0x213: {  	v3 =	vadd.f32 v54, v3  }
0x214: {  	v57 =	vld [tilespmem:s19+$0x1A800]  }
0x215: {  	v3 =	vadd.f32 v55, v3  }
0x216: {  	v58 =	vld [tilespmem:s19+$0x1AC00]  }
0x217: {  	v3 =	vadd.f32 v56, v3  }
0x218: {  	v59 =	vld [tilespmem:s19+$0x1B000]  }
0x219: {  	v3 =	vadd.f32 v57, v3  }
0x21a: {  	v60 =	vld [tilespmem:s19+$0x1B400]  }
0x21b: {  	v3 =	vadd.f32 v58, v3  }
0x21c: {  	v61 =	vld [tilespmem:s19+$0x1B800]  }
0x21d: {  	v3 =	vadd.f32 v59, v3  }
0x21e: {  	v62 =	vld [tilespmem:s19+$0x1BC00]  }
0x21f: {  	v3 =	vadd.f32 v60, v3  }
0x220: {  	v63 =	vld [tilespmem:s19+$0x1C000]  }
0x221: {  	v3 =	vadd.f32 v61, v3;
	_ =	sdelay $0x1  }
0x222: {  	v3 =	vadd.f32 v62, v3;
	_ =	sdelay $0x1  }
0x223: {  	s17 =	sadd.s32 $0x1, s17;
	v3 =	vadd.f32 v63, v3  }
0x224: {  	s18 =	sadd.s32 $0x10, s18;
	p0 =	sne.s32 s17, s8  }
.Ltmp4:
0x225: {  	[tilespmem:s18+$0x0] =	vst v3;
	(pc) =	sbr.rel @p0 .LBB2_1-.Ltmp4, $4  }
0x226: {  	[hbm4b:s7+s14] =	stream.strided.scatter [tilespmem:s16], [sflag:$0x1], $0x400, s15, s14, $0x38;
	[tilespmem:$0x1C800] =	vst v63  }
0x227: {  	_ =	swait.ge [sflag:s9], $0x400  }
0x228: {  	[sflag:s9] =	ssyncset.done $0x0  }
0x229: {  	[sflag:s9] =	ssyncadd.s32 $0xFFFFFC00  }
0x22a: {  	_ =	sfence.sel $0x180000  }
0x22b: {  	[bflag:$0x0] =	sbarrier.arrive $0xFFFF  }
0x22c: {  	p0 =	sne.s32 s0, $0x0;
	_ =	strace $0x90000047  }
0x22d: {  	s0 =	sadd.s32 @!p0 $0x100000, s2;
	[bflag:$0x2] =	sbarrier.arrive $0xFFFF  }
0x22e: {  	[sflag:s0] =	ssyncadd.tile.s32 @!p0 $0x1;
	_ =	shalt  }
.Lfunc_end2:
_tile_overlayer_lowered:
.L_overlay_start_2:
0x22f: {  	(tag) =	ssettag $0x2  }
0x230: {  	s0 =	rddreg [dreg:$0x0];
	s2 =	stileid.u32  }
0x231: {  	s1 =	rddreg [dreg:$0x1];
	p0 =	sne.s32 s2, $0x0  }
0x232: {  	s3 =	rddreg [dreg:$0x2];
	[bflag:$0x3] =	sbarrier.arrive $0xFFFF;
	s2 =	simm.s32 @!p0 $0x1C01  }
0x233: {  	[timem:s3], [sflag:s2] =	dma.local @!p0 [hbm:s0], s1  }
0x234: {  	s0 =	simm.s32 @!p0 $0x1  }
0x235: {  	_ =	swait.ge @!p0 [sflag:s0], s1  }
0x236: {  	s1 =	ssub.s32 @!p0 $0x0, s1;
	[sflag:s0] =	ssyncset.done @!p0 $0x0  }
0x237: {  	[sflag:s0] =	ssyncadd.s32 @!p0 s1  }
0x238: {  	[bflag:$0x3] =	sbarrier.arrive $0xFFFF  }
0x239: {  	_ =	shalt  }

</sc_bundles>
